<compile_context>
chip_gen: v7x
topology: tpu7x:2x2x1
jax: 0.10.2.dev20260603
libtpu: 0.0.44.dev20260713+nightly
codegen_flags: <defaults>
</compile_context>

<pallas_src>
import numpy as np

import jax
import jax.numpy as jnp
from jax.experimental import pallas as pl
from jax.experimental.pallas import tpu as pltpu

D_MODEL = 128
D_T = 64
K_ROUTE = 3
SCALE = D_T ** (-0.5)
T = 1024
F = T // 2 + 1
FP = 640
NHEAD = 16
HI = jax.lax.Precision.HIGHEST


def _dft_tables():
    t = np.arange(T, dtype=np.float64)
    f = np.arange(FP, dtype=np.float64)[:, None]
    ang = 2.0 * np.pi * f * t[None, :] / T
    cre = np.cos(ang)
    cim = -np.sin(ang)
    cre[F:] = 0.0
    cim[F:] = 0.0
    return (jnp.asarray(cre, dtype=jnp.float32),
            jnp.asarray(cim, dtype=jnp.float32))


def _dft_kernel(zz_ref, cre_ref, cim_ref, a_ref, b_ref, f_ref):
    zb = zz_ref[0]
    re = jax.lax.dot_general(cre_ref[...], zb, (((1,), (0,)), ((), ())),
                             precision=HI)
    im = jax.lax.dot_general(cim_ref[...], zb, (((1,), (0,)), ((), ())),
                             precision=HI)
    mag = jnp.sqrt(re * re + im * im)
    fio = jax.lax.broadcasted_iota(jnp.int32, (FP, D_MODEL), 0)
    magm = jnp.where(fio < F, mag, -1.0)
    vmax = jnp.max(magm, axis=0, keepdims=True)
    fstar = jnp.min(jnp.where(magm == vmax, fio, FP), axis=0, keepdims=True)
    sel = fio == fstar
    re_s = jnp.sum(jnp.where(sel, re, 0.0), axis=0, keepdims=True)
    im_s = jnp.sum(jnp.where(sel, im, 0.0), axis=0, keepdims=True)
    coef = vmax / (vmax + 1e-8)
    s = jnp.where((fstar == 0) | (fstar == T // 2), 1.0, 2.0)
    a_ref[0] = (s / T) * coef * re_s
    b_ref[0] = -(s / T) * coef * im_s
    f_ref[0] = fstar


def _router_kernel(zz_ref, a_ref, b_ref, f_ref, na_ref, nb_ref,
                   tw_ref, tb_ref, fw_ref, fb_ref,
                   rw_ref, rb_ref, nw_ref, nb2_ref,
                   sp_ref):
    zb = zz_ref[0]
    fstar = f_ref[0]
    tio = jax.lax.broadcasted_iota(jnp.int32, (T, D_MODEL), 0)
    ph = ((fstar * tio) % T).astype(jnp.float32) * np.float32(2.0 * np.pi / T)
    z_sea = a_ref[0] * jnp.cos(ph) + b_ref[0] * jnp.sin(ph)
    z_rem = zb - z_sea

    mean_rem = jnp.mean(z_rem, axis=0, keepdims=True)
    al = jax.nn.softmax(
        jax.lax.dot_general(mean_rem, tw_ref[...], (((1,), (0,)), ((), ())))
        + tb_ref[...], axis=-1)

    def shift(x, k):
        r = pltpu.roll(x, k % T, 0)
        if k > 0:
            return jnp.where(tio >= k, r, 0.0)
        return jnp.where(tio < T + k, r, 0.0)

    s3 = shift(z_rem, 1) + z_rem + shift(z_rem, -1)
    s5 = s3 + shift(z_rem, 2) + shift(z_rem, -2)
    s7 = s5 + shift(z_rem, 3) + shift(z_rem, -3)
    z_trend = (al[:, 0:1] * np.float32(1.0 / 3.0)) * s3 + \
              (al[:, 1:2] * np.float32(1.0 / 5.0)) * s5 + \
              (al[:, 2:3] * np.float32(1.0 / 7.0)) * s7

    fw = fw_ref[...]
    zfu = (jax.lax.dot_general(zb, fw[0:128], (((1,), (0,)), ((), ())))
           + jax.lax.dot_general(z_sea, fw[128:256], (((1,), (0,)), ((), ())))
           + jax.lax.dot_general(z_trend, fw[256:384], (((1,), (0,)), ((), ())))
           + fb_ref[...])
    gi = zfu + na_ref[0]
    logits = (jax.lax.dot_general(gi, rw_ref[...], (((1,), (0,)), ((), ())))
              + rb_ref[...])
    nsc = jax.nn.softplus(
        jax.lax.dot_general(gi, nw_ref[...], (((1,), (0,)), ((), ())))
        + nb2_ref[...])
    logits = logits + nb_ref[0] * nsc
    rw = jax.nn.softmax(logits, axis=-1)

    lio = jax.lax.broadcasted_iota(jnp.int32, (T, 4), 1)
    x = rw
    tvs, tis = [], []
    for _ in range(K_ROUTE):
        m = jnp.max(x, axis=1, keepdims=True)
        i = jnp.min(jnp.where(x == m, lio, 4), axis=1, keepdims=True)
        tvs.append(m)
        tis.append(i)
        x = jnp.where(lio == i, -1.0, x)

    tio1 = jax.lax.broadcasted_iota(jnp.int32, (T, 1), 0)
    sp_ref[0] = jnp.zeros((8, 8), jnp.float32)
    for s in range(4):
        for j in range(K_ROUTE):
            mask = tis[j] == s
            wint = jnp.max(jnp.where(mask, tio1, -1), axis=0, keepdims=True)
            val = jnp.sum(jnp.where(mask & (tio1 == wint), tvs[j], 0.0),
                          axis=0, keepdims=True)
            sp_ref[0, s:s + 1, j:j + 1] = val


def _expert_kernel(head_ref, zp2_ref, zp4_ref, zp6_ref, sp_ref,
                   lq_ref, lqb_ref, lk_ref, lkb_ref, lv_ref, lvb_ref,
                   gq_ref, gqb_ref, gk_ref, gkb_ref, gv_ref, gvb_ref,
                   pr_ref, prb_ref, ct_ref, ctb_ref,
                   y_ref):
    head = head_ref[0]
    acc = jnp.zeros((8, D_MODEL), jnp.float32)
    psizes = (2, 4, 6)
    nps = (512, 256, 171)
    zrefs = (zp2_ref, zp4_ref, zp6_ref)
    for e in range(3):
        p = psizes[e]
        np_real = nps[e]
        zpe = zrefs[e][0]
        npad = zpe.shape[0]
        pd = p * D_MODEL
        c0, c1 = e * 64, (e + 1) * 64
        gk = jax.lax.dot_general(zpe, gk_ref[0:pd, c0:c1],
                                 (((1,), (0,)), ((), ()))) \
            + gkb_ref[:, c0:c1]
        gv = jax.lax.dot_general(zpe, gv_ref[0:pd, c0:c1],
                                 (((1,), (0,)), ((), ()))) \
            + gvb_ref[:, c0:c1]
        gq8 = jax.lax.dot_general(zpe[0:8], gq_ref[0:pd, c0:c1],
                                  (((1,), (0,)), ((), ()))) \
            + gqb_ref[:, c0:c1]
        sc = jax.lax.dot_general(gq8, gk, (((1,), (1,)), ((), ())))
        ga = jax.nn.sigmoid(sc) * np.float32(SCALE)
        cio = jax.lax.broadcasted_iota(jnp.int32, (8, npad), 1)
        ga = jnp.where(cio < np_real, ga, -jnp.inf)
        ga = jax.nn.softmax(ga, axis=-1)
        glob8 = jax.lax.dot_general(ga, gv, (((1,), (0,)), ((), ())))

        rio = jax.lax.broadcasted_iota(jnp.int32, (8, NHEAD), 0)
        cio2 = jax.lax.broadcasted_iota(jnp.int32, (8, NHEAD), 1)
        smat = jnp.where((cio2 // p) == rio, np.float32(1.0 / p), 0.0)
        means8 = jax.lax.dot_general(smat, head, (((1,), (0,)), ((), ())))
        q8 = jax.lax.dot_general(means8, lq_ref[:, c0:c1],
                                 (((1,), (0,)), ((), ()))) \
            + lqb_ref[:, c0:c1]
        k16 = jax.lax.dot_general(head, lk_ref[:, c0:c1],
                                  (((1,), (0,)), ((), ()))) \
            + lkb_ref[:, c0:c1]
        v16 = jax.lax.dot_general(head, lv_ref[:, c0:c1],
                                  (((1,), (0,)), ((), ()))) \
            + lvb_ref[:, c0:c1]
        lsc = jax.lax.dot_general(q8, k16, (((1,), (1,)), ((), ()))) \
            * np.float32(SCALE)
        lsc = jnp.where((cio2 // p) == rio, lsc, -1e30)
        lat = jax.nn.softmax(lsc, axis=-1)
        local8 = jax.lax.dot_general(lat, v16, (((1,), (0,)), ((), ())))

        fused8 = jax.lax.dot_general(local8 + glob8,
                                     pr_ref[:, e * 128:(e + 1) * 128],
                                     (((1,), (0,)), ((), ()))) \
            + prb_ref[:, e * 128:(e + 1) * 128]

        rio8 = jax.lax.broadcasted_iota(jnp.int32, (8, 8), 0)
        cio8 = jax.lax.broadcasted_iota(jnp.int32, (8, 8), 1)
        ssel = jnp.where((cio8 == rio8 // p) & (rio8 < 4), 1.0, 0.0)
        f4 = jax.lax.dot_general(ssel, fused8, (((1,), (0,)), ((), ())))
        ftile = jnp.concatenate([f4, f4, f4, f4], axis=1)
        lio512 = jax.lax.broadcasted_iota(jnp.int32, (8, 512), 1)
        rio512 = jax.lax.broadcasted_iota(jnp.int32, (8, 512), 0)
        fblock = jnp.where((lio512 // 128) == rio512, ftile, 0.0)
        up4 = jax.lax.dot_general(fblock, ct_ref[e * 512:(e + 1) * 512, :],
                                  (((1,), (0,)), ((), ())))
        wcol = sp_ref[0][0:8, e:e + 1]
        acc = acc + (up4 + ctb_ref[:, e * 128:(e + 1) * 128]) * wcol
    y_ref[0] = acc


def _full(shape):
    nd = len(shape)
    return pl.BlockSpec(shape, lambda b: (0,) * nd)


def _bblk(shape):
    nd = len(shape)
    return pl.BlockSpec((1,) + tuple(shape[1:]),
                        lambda b: (b,) + (0,) * (nd - 1))


def kernel(z, params):
    B, Tz, N, D = z.shape
    BN = B * N
    zz = jnp.transpose(z, (0, 2, 1, 3)).reshape(BN, Tz, D)

    cre, cim = _dft_tables()

    a_c, b_c, f_c = pl.pallas_call(
        _dft_kernel,
        grid=(BN,),
        in_specs=[_bblk((BN, T, D)), _full((FP, T)), _full((FP, T))],
        out_specs=[_bblk((BN, 1, D)), _bblk((BN, 1, D)), _bblk((BN, 1, D))],
        out_shape=[jax.ShapeDtypeStruct((BN, 1, D), jnp.float32),
                   jax.ShapeDtypeStruct((BN, 1, D), jnp.float32),
                   jax.ShapeDtypeStruct((BN, 1, D), jnp.int32)],
    )(zz, cre, cim)

    ka, kb = jax.random.split(jax.random.key(42))
    noise_a = jax.random.normal(ka, (BN, T, D), jnp.float32) * 0.1
    noise_b = jax.random.normal(kb, (BN, T, 4), jnp.float32)

    p = params
    tb = p['trend_b'].reshape(1, 3)
    fpb = p['fp_b'].reshape(1, D)
    rlb = p['rl_b'].reshape(1, 4)
    nlb = p['nl_b'].reshape(1, 4)

    sp = pl.pallas_call(
        _router_kernel,
        grid=(BN,),
        in_specs=[_bblk((BN, T, D)), _bblk((BN, 1, D)), _bblk((BN, 1, D)),
                  _bblk((BN, 1, D)), _bblk((BN, T, D)), _bblk((BN, T, 4)),
                  _full((D, 3)), _full((1, 3)), _full((3 * D, D)),
                  _full((1, D)), _full((D, 4)), _full((1, 4)),
                  _full((D, 4)), _full((1, 4))],
        out_specs=[_bblk((BN, 8, 8))],
        out_shape=[jax.ShapeDtypeStruct((BN, 8, 8), jnp.float32)],
    )(zz, a_c, b_c, f_c, noise_a, noise_b,
      p['trend_w'], tb, p['fp_w'], fpb, p['rl_w'], rlb, p['nl_w'], nlb)[0]

    head = zz[:, :NHEAD, :]
    zp2 = zz.reshape(BN, 512, 2 * D)
    zp4 = zz.reshape(BN, 256, 4 * D)
    zp6 = jnp.pad(zz, ((0, 0), (0, 2), (0, 0))).reshape(BN, 171, 6 * D)
    zp6 = jnp.pad(zp6, ((0, 0), (0, 5), (0, 0)))

    pp = p['patch']
    psz = ('2', '4', '6')

    def cat_w(name, rows):
        cols = []
        for s in psz:
            w = pp[s][name]
            w = jnp.pad(w, ((0, rows - w.shape[0]), (0, 0)))
            cols.append(w)
        return jnp.concatenate(cols, axis=1)

    lqw = cat_w('lq_w', D)
    lkw = cat_w('lk_w', D)
    lvw = cat_w('lv_w', D)
    gqw = cat_w('gq_w', 6 * D)
    gkw = cat_w('gk_w', 6 * D)
    gvw = cat_w('gv_w', 6 * D)
    prw = jnp.concatenate([pp[s]['pr_w'] for s in psz], axis=1)

    def cat_b(name, width):
        return jnp.concatenate(
            [pp[s][name].reshape(1, width) for s in psz], axis=1)

    lqb = cat_b('lq_b', 64)
    lkb = cat_b('lk_b', 64)
    lvb = cat_b('lv_b', 64)
    gqb = cat_b('gq_b', 64)
    gkb = cat_b('gk_b', 64)
    gvb = cat_b('gv_b', 64)
    prb = cat_b('pr_b', 128)
    ctb = cat_b('ct_b', 128)

    cts = []
    for s, pval in zip(psz, (2, 4, 6)):
        w = pp[s]['ct_w']
        cts.append(jnp.concatenate([w[:, :, t % pval] for t in range(4)],
                                   axis=0))
    ctw = jnp.concatenate(cts, axis=0)

    y = pl.pallas_call(
        _expert_kernel,
        grid=(BN,),
        in_specs=[_bblk((BN, NHEAD, D)), _bblk((BN, 512, 256)),
                  _bblk((BN, 256, 512)), _bblk((BN, 176, 768)),
                  _bblk((BN, 8, 8)),
                  _full((D, 192)), _full((1, 192)),
                  _full((D, 192)), _full((1, 192)),
                  _full((D, 192)), _full((1, 192)),
                  _full((6 * D, 192)), _full((1, 192)),
                  _full((6 * D, 192)), _full((1, 192)),
                  _full((6 * D, 192)), _full((1, 192)),
                  _full((64, 384)), _full((1, 384)),
                  _full((1536, D)), _full((1, 384))],
        out_specs=[_bblk((BN, 8, D))],
        out_shape=[jax.ShapeDtypeStruct((BN, 8, D), jnp.float32)],
    )(head, zp2, zp4, zp6, sp,
      lqw, lqb, lkw, lkb, lvw, lvb,
      gqw, gqb, gkw, gkb, gvw, gvb,
      prw, prb, ctw, ctb)[0]

    y4 = y[:, 0:4, :].reshape(B, N, 4, D)
    y4 = jnp.transpose(y4, (0, 3, 1, 2))
    out = jnp.zeros((B, Tz, N, D), jnp.float32)
    out = out.at[:, ::8, :, 0:4].set(y4)
    return out

# --- scband reference (transcript-rebuilt; emitter-appended) ---
"""Pipeline reference for scband-mapta-23914377904862 (READ-ONLY COPY).

The authoritative reference and input builder live on the scoring server;
editing this copy changes nothing except your own understanding.
"""

import jax, jax.numpy as jnp
import numpy as np

D_MODEL = 128
D_T = 64
K_ROUTE = 3
K_FREQ = 1
PATCH_SIZES = (2, 4, 6, 8)
KERNEL_SIZES = (3, 5, 7)
SCALE = D_T ** (-0.5)


def setup_inputs() -> dict:
    keys = iter(jax.random.split(jax.random.key(0), 80))
    def mk(shape, s=0.05):
        return jax.random.normal(next(keys), shape, dtype=jnp.float32) * s
    patch = {}
    for p in PATCH_SIZES:
        patch[str(p)] = {
            'lq_w': mk((D_MODEL, D_T)), 'lq_b': jnp.zeros((D_T,), jnp.float32),
            'lk_w': mk((D_MODEL, D_T)), 'lk_b': jnp.zeros((D_T,), jnp.float32),
            'lv_w': mk((D_MODEL, D_T)), 'lv_b': jnp.zeros((D_T,), jnp.float32),
            'gq_w': mk((p * D_MODEL, D_T)), 'gq_b': jnp.zeros((D_T,), jnp.float32),
            'gk_w': mk((p * D_MODEL, D_T)), 'gk_b': jnp.zeros((D_T,), jnp.float32),
            'gv_w': mk((p * D_MODEL, D_T)), 'gv_b': jnp.zeros((D_T,), jnp.float32),
            'pr_w': mk((D_T, D_MODEL)), 'pr_b': jnp.zeros((D_MODEL,), jnp.float32),
            'ct_w': mk((D_MODEL, D_MODEL, p)), 'ct_b': jnp.zeros((D_MODEL,), jnp.float32),
        }
    params = {
        'trend_w': mk((D_MODEL, len(KERNEL_SIZES))), 'trend_b': jnp.zeros((len(KERNEL_SIZES),), jnp.float32),
        'fp_w': mk((3 * D_MODEL, D_MODEL)), 'fp_b': jnp.zeros((D_MODEL,), jnp.float32),
        'rl_w': mk((D_MODEL, len(PATCH_SIZES))), 'rl_b': jnp.zeros((len(PATCH_SIZES),), jnp.float32),
        'nl_w': mk((D_MODEL, len(PATCH_SIZES))), 'nl_b': jnp.zeros((len(PATCH_SIZES),), jnp.float32),
        'patch': patch,
    }
    z = jax.random.normal(next(keys), (4, 1024, 16, D_MODEL), dtype=jnp.float32)
    return {'z': z, 'params': params}


def _forward(z, params):
    B, T, N, D = z.shape
    BN = B * N
    zz = jnp.transpose(z, (0, 2, 1, 3)).reshape(BN, T, D)
    # --- DFT seasonal extractor ---
    zf = jnp.fft.rfft(zz, axis=1)
    mag = jnp.abs(zf)                       # [BN, F, D]
    mt = jnp.swapaxes(mag, 1, 2)            # [BN, D, F]
    vals, idx = jax.lax.top_k(mt, K_FREQ)   # top-k over freq axis
    bi = jnp.arange(BN)[:, None, None]
    di = jnp.arange(D)[None, :, None]
    maskt = jnp.zeros_like(mt).at[bi, di, idx].set(vals)
    mask = jnp.swapaxes(maskt, 1, 2)
    zf_f = zf * (mask / (mag + 1e-08))
    z_sea = jnp.fft.irfft(zf_f, n=T, axis=1)
    z_rem = zz - z_sea
    # --- multi-scale trend extractor ---
    alpha = jax.nn.softmax(z_rem.mean(axis=1) @ params['trend_w'] + params['trend_b'], axis=-1)
    pooled = []
    for kk in KERNEL_SIZES:
        s = jax.lax.reduce_window(z_rem, 0.0, jax.lax.add, (1, kk, 1), (1, 1, 1), [(0, 0), (kk // 2, kk // 2), (0, 0)])
        pooled.append(s / kk)  # count_include_pad=True like torch avg_pool1d
    ps = jnp.stack(pooled, axis=1)          # [BN, n_k, T, D]
    z_trend = (ps * alpha[:, :, None, None]).sum(axis=1)
    # --- noisy gating router ---
    zc = jnp.concatenate([zz, z_sea, z_trend], axis=-1)
    zfu = zc @ params['fp_w'] + params['fp_b']
    ka, kb = jax.random.split(jax.random.key(42))
    gi = zfu + jax.random.normal(ka, zfu.shape, zfu.dtype) * 0.1
    logits = gi @ params['rl_w'] + params['rl_b']
    nscale = jax.nn.softplus(gi @ params['nl_w'] + params['nl_b'])
    logits = logits + jax.random.normal(kb, logits.shape, logits.dtype) * nscale
    rw = jax.nn.softmax(logits, axis=-1)    # [BN, T, P]
    tv, ti = jax.lax.top_k(rw, K_ROUTE)     # [BN, T, K]
    # faithful replica of torch scatter_(dim=1, ...): sparse[b, ti[b,t,j], j] = tv[b,t,j]
    bidx = jnp.arange(BN)[:, None, None]
    jidx = jnp.arange(K_ROUTE)[None, None, :]
    sparse = jnp.zeros_like(rw).at[bidx, ti, jidx].set(tv)
    # --- per-patch-size experts ---
    outs = []
    for i, psz in enumerate(PATCH_SIZES):
        w = sparse[:, :, i][:, None, :]     # [BN, 1, T]
        pad = (-T) % psz
        zp = jnp.pad(zz, ((0, 0), (0, pad), (0, 0)))
        Np = (T + pad) // psz
        patches = zp.reshape(BN, Np, psz, D)
        pp = params['patch'][str(psz)]
        # local patch attention
        q = patches.mean(axis=2, keepdims=True) @ pp['lq_w'] + pp['lq_b']   # [BN,Np,1,dt]
        kmat = patches @ pp['lk_w'] + pp['lk_b']
        vmat = patches @ pp['lv_w'] + pp['lv_b']
        attn = jax.nn.softmax((q @ jnp.swapaxes(kmat, -2, -1)) * SCALE, axis=-1)
        local = (attn @ vmat)[:, :, 0, :]
        # global patch attention
        flat = patches.reshape(BN, Np, psz * D)
        gq = (flat @ pp['gq_w'] + pp['gq_b'])[:, :, None, :]   # [BN,Np,1,dt]
        gk = (flat @ pp['gk_w'] + pp['gk_b'])[:, None, :, :]   # [BN,1,Np,dt]
        gv = (flat @ pp['gv_w'] + pp['gv_b'])[:, None, :, :]
        ga = jax.nn.sigmoid(gq @ jnp.swapaxes(gk, -2, -1)) * SCALE   # [BN,Np,1,Np]
        ga = jax.nn.softmax(ga, axis=-1)
        glob = (ga @ gv)[:, :, 0, :]
        fused = (local + glob) @ pp['pr_w'] + pp['pr_b']       # [BN,Np,D]
        x = jnp.swapaxes(fused, 1, 2)                          # [BN,D,Np]
        # ConvTranspose1d(kernel=stride=psz): out[b,o,n*p+j] = sum_c x[b,c,n]*W[c,o,j] + bias
        up = jnp.einsum('bcn,coj->bonj', x, pp['ct_w']).reshape(BN, D, Np * psz) + pp['ct_b'][None, :, None]
        up = up[:, :, :T]
        outs.append(up * w)
    temporal = jnp.stack(outs, axis=0).sum(axis=0)             # [BN, D, T]
    # faithful replica of torch's raw reshape of [BN,D,T] into [B,N,T,D]
    out = jnp.transpose(temporal.reshape(B, N, T, D), (0, 2, 1, 3))
    return out


def reference(z, params):
    return _forward(z, params)

if __name__ == "__main__":
    import jax
    _d = setup_inputs()
    print(jax.jit(kernel)(*tuple(_d.values())))

</pallas_src>

<mosaic_0001>
module attributes {stable_mosaic.version = 14 : i64} {
  func.func @_dft_kernel(%arg0: i32, %arg1: memref<1x1024x128xf32, #tpu.memory_space<vmem>>, %arg2: memref<640x1024xf32, #tpu.memory_space<vmem>>, %arg3: memref<640x1024xf32, #tpu.memory_space<vmem>>, %arg4: memref<1x1x128xf32, #tpu.memory_space<vmem>>, %arg5: memref<1x1x128xf32, #tpu.memory_space<vmem>>, %arg6: memref<1x1x128xi32, #tpu.memory_space<vmem>>) attributes {dimension_semantics = [#tpu.dimension_semantics<arbitrary>], iteration_bounds = array<i64: 64>, scalar_prefetch = 0 : i64, scratch_operands = 0 : i64, tpu.core_type = #tpu.core_type<tc>, window_params = [{transform_indices = @transform_0, window_bounds = array<i64: 1, 1024, 128>}, {pipeline_mode = #tpu.pipeline_mode<synchronous>, transform_indices = @transform_1, window_bounds = array<i64: 640, 1024>}, {pipeline_mode = #tpu.pipeline_mode<synchronous>, transform_indices = @transform_2, window_bounds = array<i64: 640, 1024>}, {transform_indices = @transform_3, window_bounds = array<i64: 1, 1, 128>}, {transform_indices = @transform_4, window_bounds = array<i64: 1, 1, 128>}, {transform_indices = @transform_5, window_bounds = array<i64: 1, 1, 128>}]} {
    %get3A = arith.constant 0 : index
    %get3A_0 = arith.constant 0 : index
    %get3A_1 = arith.constant 0 : index
    %get3A_2 = vector.load %arg1[%get3A, %get3A_0, %get3A_1] : memref<1x1024x128xf32, #tpu.memory_space<vmem>>, vector<1x1024x128xf32>
    %get3A_3 = vector.shape_cast %get3A_2 : vector<1x1024x128xf32> to vector<1024x128xf32>
    %get3A_4 = arith.constant 0 : index
    %get3A_5 = arith.constant 0 : index
    %get3A_6 = vector.load %arg2[%get3A_4, %get3A_5] : memref<640x1024xf32, #tpu.memory_space<vmem>>, vector<640x1024xf32>
    %dot_general3A = arith.constant dense<0.000000e+00> : vector<640x128xf32>
    %dot_general3A_7 = tpu.matmul %get3A_6, %get3A_3, %dot_general3A {dimension_numbers = #tpu.dot_dimension_numbers<[1], [0], [0], [1], [0, 0, 1, 1], [], []>, precision = #tpu.contract_precision<fp32>, transpose_lhs_hint = false} : vector<640x1024xf32>, vector<1024x128xf32>, vector<640x128xf32> -> vector<640x128xf32>
    %get3A_8 = arith.constant 0 : index
    %get3A_9 = arith.constant 0 : index
    %get3A_10 = vector.load %arg3[%get3A_8, %get3A_9] : memref<640x1024xf32, #tpu.memory_space<vmem>>, vector<640x1024xf32>
    %dot_general3A_11 = arith.constant dense<0.000000e+00> : vector<640x128xf32>
    %dot_general3A_12 = tpu.matmul %get3A_10, %get3A_3, %dot_general3A_11 {dimension_numbers = #tpu.dot_dimension_numbers<[1], [0], [0], [1], [0, 0, 1, 1], [], []>, precision = #tpu.contract_precision<fp32>, transpose_lhs_hint = false} : vector<640x1024xf32>, vector<1024x128xf32>, vector<640x128xf32> -> vector<640x128xf32>
    %mul3A = arith.mulf %dot_general3A_7, %dot_general3A_7 : vector<640x128xf32>
    %mul3A_13 = arith.mulf %dot_general3A_12, %dot_general3A_12 : vector<640x128xf32>
    %add3A = arith.addf %mul3A, %mul3A_13 : vector<640x128xf32>
    %sqrt3A = math.sqrt %add3A : vector<640x128xf32>
    %iota3A = tpu.iota {dimensions = array<i32: 0>} : vector<640x128xi32>
    %lt3A = arith.constant 513 : i32
    %lt3A_14 = vector.broadcast %lt3A : i32 to vector<640x128xi32>
    %lt3A_15 = arith.cmpi slt, %iota3A, %lt3A_14 : vector<640x128xi32>
    %jit3A = arith.constant -1.000000e+00 : f32
    %broadcast_in_dim3A = vector.broadcast %jit3A : f32 to vector<640x128xf32>
    %select_n3A = arith.select %lt3A_15, %sqrt3A, %broadcast_in_dim3A : vector<640x128xi1>, vector<640x128xf32>
    %reduce_max3A = arith.constant dense<0xFF800000> : vector<128xf32>
    %reduce_max3A_16 = vector.multi_reduction <maximumf>, %select_n3A, %reduce_max3A [0] : vector<640x128xf32> to vector<128xf32>
    %broadcast_in_dim3A_17 = vector.shape_cast %reduce_max3A_16 : vector<128xf32> to vector<1x128xf32>
    %eq3A = vector.broadcast %broadcast_in_dim3A_17 : vector<1x128xf32> to vector<640x128xf32>
    %eq3A_18 = arith.cmpf oeq, %select_n3A, %eq3A : vector<640x128xf32>
    %jit3A_19 = arith.constant 640 : i32
    %broadcast_in_dim3A_20 = vector.broadcast %jit3A_19 : i32 to vector<640x128xi32>
    %select_n3A_21 = arith.select %eq3A_18, %iota3A, %broadcast_in_dim3A_20 : vector<640x128xi1>, vector<640x128xi32>
    %reduce_min3A = arith.constant dense<2147483647> : vector<128xi32>
    %reduce_min3A_22 = vector.multi_reduction <minsi>, %select_n3A_21, %reduce_min3A [0] : vector<640x128xi32> to vector<128xi32>
    %broadcast_in_dim3A_23 = vector.shape_cast %reduce_min3A_22 : vector<128xi32> to vector<1x128xi32>
    %eq3A_24 = vector.broadcast %broadcast_in_dim3A_23 : vector<1x128xi32> to vector<640x128xi32>
    %eq3A_25 = arith.cmpi eq, %iota3A, %eq3A_24 : vector<640x128xi32>
    %jit3A_26 = arith.constant 0.000000e+00 : f32
    %broadcast_in_dim3A_27 = vector.broadcast %jit3A_26 : f32 to vector<640x128xf32>
    %select_n3A_28 = arith.select %eq3A_25, %dot_general3A_7, %broadcast_in_dim3A_27 : vector<640x128xi1>, vector<640x128xf32>
    %reduce_sum3A = arith.constant dense<0.000000e+00> : vector<128xf32>
    %reduce_sum3A_29 = vector.multi_reduction <add>, %select_n3A_28, %reduce_sum3A [0] : vector<640x128xf32> to vector<128xf32>
    %broadcast_in_dim3A_30 = vector.shape_cast %reduce_sum3A_29 : vector<128xf32> to vector<1x128xf32>
    %jit3A_31 = arith.constant 0.000000e+00 : f32
    %broadcast_in_dim3A_32 = vector.broadcast %jit3A_31 : f32 to vector<640x128xf32>
    %select_n3A_33 = arith.select %eq3A_25, %dot_general3A_12, %broadcast_in_dim3A_32 : vector<640x128xi1>, vector<640x128xf32>
    %reduce_sum3A_34 = arith.constant dense<0.000000e+00> : vector<128xf32>
    %reduce_sum3A_35 = vector.multi_reduction <add>, %select_n3A_33, %reduce_sum3A_34 [0] : vector<640x128xf32> to vector<128xf32>
    %broadcast_in_dim3A_36 = vector.shape_cast %reduce_sum3A_35 : vector<128xf32> to vector<1x128xf32>
    %add3A_37 = arith.constant 9.99999993E-9 : f32
    %add3A_38 = vector.broadcast %add3A_37 : f32 to vector<1x128xf32>
    %add3A_39 = arith.addf %broadcast_in_dim3A_17, %add3A_38 : vector<1x128xf32>
    %div3A = arith.divf %broadcast_in_dim3A_17, %add3A_39 : vector<1x128xf32>
    %eq3A_40 = arith.constant 0 : i32
    %eq3A_41 = vector.broadcast %eq3A_40 : i32 to vector<1x128xi32>
    %eq3A_42 = arith.cmpi eq, %broadcast_in_dim3A_23, %eq3A_41 : vector<1x128xi32>
    %eq3A_43 = arith.constant 512 : i32
    %eq3A_44 = vector.broadcast %eq3A_43 : i32 to vector<1x128xi32>
    %eq3A_45 = arith.cmpi eq, %broadcast_in_dim3A_23, %eq3A_44 : vector<1x128xi32>
    %or3A = arith.ori %eq3A_42, %eq3A_45 : vector<1x128xi1>
    %jit3A_46 = arith.constant 1.000000e+00 : f32
    %jit3A_47 = arith.constant 2.000000e+00 : f32
    %broadcast_in_dim3A_48 = vector.broadcast %jit3A_46 : f32 to vector<1x128xf32>
    %broadcast_in_dim3A_49 = vector.broadcast %jit3A_47 : f32 to vector<1x128xf32>
    %select_n3A_50 = arith.select %or3A, %broadcast_in_dim3A_48, %broadcast_in_dim3A_49 : vector<1x128xi1>, vector<1x128xf32>
    %div3A_51 = arith.constant 1.024000e+03 : f32
    %div3A_52 = vector.broadcast %div3A_51 : f32 to vector<1x128xf32>
    %div3A_53 = arith.divf %select_n3A_50, %div3A_52 : vector<1x128xf32>
    %mul3A_54 = arith.mulf %div3A_53, %div3A : vector<1x128xf32>
    %mul3A_55 = arith.mulf %mul3A_54, %broadcast_in_dim3A_30 : vector<1x128xf32>
    %swap3A = arith.constant 0 : index
    %swap3A_56 = arith.constant 0 : index
    %swap3A_57 = arith.constant 0 : index
    %swap3A_58 = vector.load %arg4[%swap3A, %swap3A_56, %swap3A_57] : memref<1x1x128xf32, #tpu.memory_space<vmem>>, vector<1x1x128xf32>
    %swap3A_59 = vector.shape_cast %swap3A_58 : vector<1x1x128xf32> to vector<1x128xf32>
    %swap3A_60 = vector.shape_cast %mul3A_55 : vector<1x128xf32> to vector<1x1x128xf32>
    tpu.vector_store %arg4[%swap3A, %swap3A_56, %swap3A_57], %swap3A_60 {strides = array<i32>} : memref<1x1x128xf32, #tpu.memory_space<vmem>>, vector<1x1x128xf32>,
    %div3A_61 = arith.constant 1.024000e+03 : f32
    %div3A_62 = vector.broadcast %div3A_61 : f32 to vector<1x128xf32>
    %div3A_63 = arith.divf %select_n3A_50, %div3A_62 : vector<1x128xf32>
    %neg3A = arith.constant 0.000000e+00 : f32
    %neg3A_64 = vector.broadcast %neg3A : f32 to vector<1x128xf32>
    %neg3A_65 = arith.subf %neg3A_64, %div3A_63 : vector<1x128xf32>
    %mul3A_66 = arith.mulf %neg3A_65, %div3A : vector<1x128xf32>
    %mul3A_67 = arith.mulf %mul3A_66, %broadcast_in_dim3A_36 : vector<1x128xf32>
    %swap3A_68 = arith.constant 0 : index
    %swap3A_69 = arith.constant 0 : index
    %swap3A_70 = arith.constant 0 : index
    %swap3A_71 = vector.load %arg5[%swap3A_68, %swap3A_69, %swap3A_70] : memref<1x1x128xf32, #tpu.memory_space<vmem>>, vector<1x1x128xf32>
    %swap3A_72 = vector.shape_cast %swap3A_71 : vector<1x1x128xf32> to vector<1x128xf32>
    %swap3A_73 = vector.shape_cast %mul3A_67 : vector<1x128xf32> to vector<1x1x128xf32>
    tpu.vector_store %arg5[%swap3A_68, %swap3A_69, %swap3A_70], %swap3A_73 {strides = array<i32>} : memref<1x1x128xf32, #tpu.memory_space<vmem>>, vector<1x1x128xf32>,
    %swap3A_74 = arith.constant 0 : index
    %swap3A_75 = arith.constant 0 : index
    %swap3A_76 = arith.constant 0 : index
    %swap3A_77 = vector.load %arg6[%swap3A_74, %swap3A_75, %swap3A_76] : memref<1x1x128xi32, #tpu.memory_space<vmem>>, vector<1x1x128xi32>
    %swap3A_78 = vector.shape_cast %swap3A_77 : vector<1x1x128xi32> to vector<1x128xi32>
    %swap3A_79 = vector.shape_cast %broadcast_in_dim3A_23 : vector<1x128xi32> to vector<1x1x128xi32>
    tpu.vector_store %arg6[%swap3A_74, %swap3A_75, %swap3A_76], %swap3A_79 {strides = array<i32>} : memref<1x1x128xi32, #tpu.memory_space<vmem>>, vector<1x1x128xi32>,
    return
  }
  func.func @transform_0(%arg0: i32) -> (i32, i32, i32) {
    %c0_i32 = arith.constant 0 : i32
    %c0_i32_0 = arith.constant 0 : i32
    %c0_i32_1 = arith.constant 0 : i32
    return %arg0, %c0_i32, %c0_i32_0 : i32, i32, i32
  }
  func.func @transform_1(%arg0: i32) -> (i32, i32) {
    %c0_i32 = arith.constant 0 : i32
    %c0_i32_0 = arith.constant 0 : i32
    %c0_i32_1 = arith.constant 0 : i32
    return %c0_i32, %c0_i32_0 : i32, i32
  }
  func.func @transform_2(%arg0: i32) -> (i32, i32) {
    %c0_i32 = arith.constant 0 : i32
    %c0_i32_0 = arith.constant 0 : i32
    %c0_i32_1 = arith.constant 0 : i32
    return %c0_i32, %c0_i32_0 : i32, i32
  }
  func.func @transform_3(%arg0: i32) -> (i32, i32, i32) {
    %c0_i32 = arith.constant 0 : i32
    %c0_i32_0 = arith.constant 0 : i32
    %c0_i32_1 = arith.constant 0 : i32
    return %arg0, %c0_i32, %c0_i32_0 : i32, i32, i32
  }
  func.func @transform_4(%arg0: i32) -> (i32, i32, i32) {
    %c0_i32 = arith.constant 0 : i32
    %c0_i32_0 = arith.constant 0 : i32
    %c0_i32_1 = arith.constant 0 : i32
    return %arg0, %c0_i32, %c0_i32_0 : i32, i32, i32
  }
  func.func @transform_5(%arg0: i32) -> (i32, i32, i32) {
    %c0_i32 = arith.constant 0 : i32
    %c0_i32_0 = arith.constant 0 : i32
    %c0_i32_1 = arith.constant 0 : i32
    return %arg0, %c0_i32, %c0_i32_0 : i32, i32, i32
  }
}

module attributes {stable_mosaic.version = 14 : i64} {
  func.func @_router_kernel(%arg0: i32, %arg1: memref<1x1024x128xf32, #tpu.memory_space<vmem>>, %arg2: memref<1x1x128xf32, #tpu.memory_space<vmem>>, %arg3: memref<1x1x128xf32, #tpu.memory_space<vmem>>, %arg4: memref<1x1x128xi32, #tpu.memory_space<vmem>>, %arg5: memref<1x1024x128xf32, #tpu.memory_space<vmem>>, %arg6: memref<1x1024x4xf32, #tpu.memory_space<vmem>>, %arg7: memref<128x3xf32, #tpu.memory_space<vmem>>, %arg8: memref<1x3xf32, #tpu.memory_space<vmem>>, %arg9: memref<384x128xf32, #tpu.memory_space<vmem>>, %arg10: memref<1x128xf32, #tpu.memory_space<vmem>>, %arg11: memref<128x4xf32, #tpu.memory_space<vmem>>, %arg12: memref<1x4xf32, #tpu.memory_space<vmem>>, %arg13: memref<128x4xf32, #tpu.memory_space<vmem>>, %arg14: memref<1x4xf32, #tpu.memory_space<vmem>>, %arg15: memref<1x8x8xf32, #tpu.memory_space<vmem>>) attributes {dimension_semantics = [#tpu.dimension_semantics<arbitrary>], iteration_bounds = array<i64: 64>, scalar_prefetch = 0 : i64, scratch_operands = 0 : i64, tpu.core_type = #tpu.core_type<tc>, window_params = [{transform_indices = @transform_0, window_bounds = array<i64: 1, 1024, 128>}, {transform_indices = @transform_1, window_bounds = array<i64: 1, 1, 128>}, {transform_indices = @transform_2, window_bounds = array<i64: 1, 1, 128>}, {transform_indices = @transform_3, window_bounds = array<i64: 1, 1, 128>}, {transform_indices = @transform_4, window_bounds = array<i64: 1, 1024, 128>}, {transform_indices = @transform_5, window_bounds = array<i64: 1, 1024, 4>}, {pipeline_mode = #tpu.pipeline_mode<synchronous>, transform_indices = @transform_6, window_bounds = array<i64: 128, 3>}, {pipeline_mode = #tpu.pipeline_mode<synchronous>, transform_indices = @transform_7, window_bounds = array<i64: 1, 3>}, {pipeline_mode = #tpu.pipeline_mode<synchronous>, transform_indices = @transform_8, window_bounds = array<i64: 384, 128>}, {pipeline_mode = #tpu.pipeline_mode<synchronous>, transform_indices = @transform_9, window_bounds = array<i64: 1, 128>}, {pipeline_mode = #tpu.pipeline_mode<synchronous>, transform_indices = @transform_10, window_bounds = array<i64: 128, 4>}, {pipeline_mode = #tpu.pipeline_mode<synchronous>, transform_indices = @transform_11, window_bounds = array<i64: 1, 4>}, {pipeline_mode = #tpu.pipeline_mode<synchronous>, transform_indices = @transform_12, window_bounds = array<i64: 128, 4>}, {pipeline_mode = #tpu.pipeline_mode<synchronous>, transform_indices = @transform_13, window_bounds = array<i64: 1, 4>}, {transform_indices = @transform_14, window_bounds = array<i64: 1, 8, 8>}]} {
    %get3A = arith.constant 0 : index
    %get3A_0 = arith.constant 0 : index
    %get3A_1 = arith.constant 0 : index
    %get3A_2 = vector.load %arg1[%get3A, %get3A_0, %get3A_1] : memref<1x1024x128xf32, #tpu.memory_space<vmem>>, vector<1x1024x128xf32>
    %get3A_3 = vector.shape_cast %get3A_2 : vector<1x1024x128xf32> to vector<1024x128xf32>
    %get3A_4 = arith.constant 0 : index
    %get3A_5 = arith.constant 0 : index
    %get3A_6 = arith.constant 0 : index
    %get3A_7 = vector.load %arg4[%get3A_4, %get3A_5, %get3A_6] : memref<1x1x128xi32, #tpu.memory_space<vmem>>, vector<1x1x128xi32>
    %get3A_8 = vector.shape_cast %get3A_7 : vector<1x1x128xi32> to vector<1x128xi32>
    %iota3A = tpu.iota {dimensions = array<i32: 0>} : vector<1024x128xi32>
    %mul3A = vector.broadcast %get3A_8 : vector<1x128xi32> to vector<1024x128xi32>
    %mul3A_9 = arith.muli %mul3A, %iota3A : vector<1024x128xi32>
    %jit3A = arith.constant 1024 : i32
    %eq3A = arith.constant 0 : i32
    %eq3A_10 = arith.cmpi eq, %jit3A, %eq3A : i32
    %jit3A_11 = arith.constant 1 : i32
    %select_n3A = arith.select %eq3A_10, %jit3A_11, %jit3A : i32
    %rem3A = vector.broadcast %select_n3A : i32 to vector<1024x128xi32>
    %rem3A_12 = arith.remsi %mul3A_9, %rem3A : vector<1024x128xi32>
    %ne3A = arith.constant 0 : i32
    %ne3A_13 = vector.broadcast %ne3A : i32 to vector<1024x128xi32>
    %ne3A_14 = arith.cmpi ne, %rem3A_12, %ne3A_13 : vector<1024x128xi32>
    %lt3A = arith.constant 0 : i32
    %lt3A_15 = vector.broadcast %lt3A : i32 to vector<1024x128xi32>
    %lt3A_16 = arith.cmpi slt, %rem3A_12, %lt3A_15 : vector<1024x128xi32>
    %lt3A_17 = arith.constant 0 : i32
    %lt3A_18 = arith.cmpi slt, %select_n3A, %lt3A_17 : i32
    %ne3A_19 = vector.broadcast %lt3A_18 : i1 to vector<1024x128xi1>
    %ne3A_20 = vector.broadcast %ne3A_19 : vector<1024x128xi1> to vector<1024x128xi1>
    %ne3A_21 = arith.xori %lt3A_16, %ne3A_20 : vector<1024x128xi1>
    %and3A = arith.andi %ne3A_21, %ne3A_14 : vector<1024x128xi1>
    %add3A = vector.broadcast %select_n3A : i32 to vector<1024x128xi32>
    %add3A_22 = arith.addi %rem3A_12, %add3A : vector<1024x128xi32>
    %select_n3A_23 = arith.select %and3A, %add3A_22, %rem3A_12 : vector<1024x128xi1>, vector<1024x128xi32>
    %convert_element_type3A = arith.sitofp %select_n3A_23 : vector<1024x128xi32> to vector<1024x128xf32>
    %mul3A_24 = arith.constant 0.00613592332 : f32
    %mul3A_25 = vector.broadcast %mul3A_24 : f32 to vector<1024x128xf32>
    %mul3A_26 = arith.mulf %convert_element_type3A, %mul3A_25 : vector<1024x128xf32>
    %get3A_27 = arith.constant 0 : index
    %get3A_28 = arith.constant 0 : index
    %get3A_29 = arith.constant 0 : index
    %get3A_30 = vector.load %arg2[%get3A_27, %get3A_28, %get3A_29] : memref<1x1x128xf32, #tpu.memory_space<vmem>>, vector<1x1x128xf32>
    %get3A_31 = vector.shape_cast %get3A_30 : vector<1x1x128xf32> to vector<1x128xf32>
    %cos3A = math.cos %mul3A_26 : vector<1024x128xf32>
    %mul3A_32 = vector.broadcast %get3A_31 : vector<1x128xf32> to vector<1024x128xf32>
    %mul3A_33 = arith.mulf %mul3A_32, %cos3A : vector<1024x128xf32>
    %get3A_34 = arith.constant 0 : index
    %get3A_35 = arith.constant 0 : index
    %get3A_36 = arith.constant 0 : index
    %get3A_37 = vector.load %arg3[%get3A_34, %get3A_35, %get3A_36] : memref<1x1x128xf32, #tpu.memory_space<vmem>>, vector<1x1x128xf32>
    %get3A_38 = vector.shape_cast %get3A_37 : vector<1x1x128xf32> to vector<1x128xf32>
    %sin3A = math.sin %mul3A_26 : vector<1024x128xf32>
    %mul3A_39 = vector.broadcast %get3A_38 : vector<1x128xf32> to vector<1024x128xf32>
    %mul3A_40 = arith.mulf %mul3A_39, %sin3A : vector<1024x128xf32>
    %add3A_41 = arith.addf %mul3A_33, %mul3A_40 : vector<1024x128xf32>
    %sub3A = arith.subf %get3A_3, %add3A_41 : vector<1024x128xf32>
    %reduce_sum3A = arith.constant dense<0.000000e+00> : vector<128xf32>
    %reduce_sum3A_42 = vector.multi_reduction <add>, %sub3A, %reduce_sum3A [0] : vector<1024x128xf32> to vector<128xf32>
    %broadcast_in_dim3A = vector.shape_cast %reduce_sum3A_42 : vector<128xf32> to vector<1x128xf32>
    %div3A = arith.constant 1.024000e+03 : f32
    %div3A_43 = vector.broadcast %div3A : f32 to vector<1x128xf32>
    %div3A_44 = arith.divf %broadcast_in_dim3A, %div3A_43 : vector<1x128xf32>
    %get3A_45 = arith.constant 0 : index
    %get3A_46 = arith.constant 0 : index
    %get3A_47 = vector.load %arg7[%get3A_45, %get3A_46] : memref<128x3xf32, #tpu.memory_space<vmem>>, vector<128x3xf32>
    %dot_general3A = arith.constant dense<0.000000e+00> : vector<1x3xf32>
    %dot_general3A_48 = tpu.matmul %div3A_44, %get3A_47, %dot_general3A {dimension_numbers = #tpu.dot_dimension_numbers<[1], [0], [0], [1], [0, 0, 1, 1], [], []>, transpose_lhs_hint = false} : vector<1x128xf32>, vector<128x3xf32>, vector<1x3xf32> -> vector<1x3xf32>
    %get3A_49 = arith.constant 0 : index
    %get3A_50 = arith.constant 0 : index
    %get3A_51 = vector.load %arg8[%get3A_49, %get3A_50] : memref<1x3xf32, #tpu.memory_space<vmem>>, vector<1x3xf32>
    %add3A_52 = arith.addf %dot_general3A_48, %get3A_51 : vector<1x3xf32>
    %reduce_max3A = arith.constant dense<0xFF800000> : vector<1xf32>
    %reduce_max3A_53 = vector.multi_reduction <maximumf>, %add3A_52, %reduce_max3A [1] : vector<1x3xf32> to vector<1xf32>
    %max3A = arith.constant 0xFF800000 : f32
    %max3A_54 = vector.broadcast %max3A : f32 to vector<1xf32>
    %max3A_55 = arith.maximumf %max3A_54, %reduce_max3A_53 : vector<1xf32>
    %broadcast_in_dim3A_56 = vector.shape_cast %max3A_55 : vector<1xf32> to vector<1x1xf32>
    %sub3A_57 = vector.broadcast %broadcast_in_dim3A_56 : vector<1x1xf32> to vector<1x3xf32>
    %sub3A_58 = arith.subf %add3A_52, %sub3A_57 : vector<1x3xf32>
    %exp3A = math.exp %sub3A_58 : vector<1x3xf32>
    %reduce_sum3A_59 = arith.constant dense<0.000000e+00> : vector<1xf32>
    %reduce_sum3A_60 = vector.multi_reduction <add>, %exp3A, %reduce_sum3A_59 [1] : vector<1x3xf32> to vector<1xf32>
    %broadcast_in_dim3A_61 = vector.shape_cast %reduce_sum3A_60 : vector<1xf32> to vector<1x1xf32>
    %div3A_62 = vector.broadcast %broadcast_in_dim3A_61 : vector<1x1xf32> to vector<1x3xf32>
    %div3A_63 = arith.divf %exp3A, %div3A_62 : vector<1x3xf32>
    %roll3A = arith.constant 1 : i32
    %roll3A_64 = tpu.dynamic_rotate %sub3A by %roll3A dim 0 : vector<1024x128xf32>, i32 -> vector<1024x128xf32>
    %ge3A = arith.constant 1 : i32
    %ge3A_65 = vector.broadcast %ge3A : i32 to vector<1024x128xi32>
    %ge3A_66 = arith.cmpi sge, %iota3A, %ge3A_65 : vector<1024x128xi32>
    %jit3A_67 = arith.constant 0.000000e+00 : f32
    %broadcast_in_dim3A_68 = vector.broadcast %jit3A_67 : f32 to vector<1024x128xf32>
    %select_n3A_69 = arith.select %ge3A_66, %roll3A_64, %broadcast_in_dim3A_68 : vector<1024x128xi1>, vector<1024x128xf32>
    %add3A_70 = arith.addf %select_n3A_69, %sub3A : vector<1024x128xf32>
    %roll3A_71 = arith.constant 1023 : i32
    %roll3A_72 = tpu.dynamic_rotate %sub3A by %roll3A_71 dim 0 : vector<1024x128xf32>, i32 -> vector<1024x128xf32>
    %lt3A_73 = arith.constant 1023 : i32
    %lt3A_74 = vector.broadcast %lt3A_73 : i32 to vector<1024x128xi32>
    %lt3A_75 = arith.cmpi slt, %iota3A, %lt3A_74 : vector<1024x128xi32>
    %jit3A_76 = arith.constant 0.000000e+00 : f32
    %broadcast_in_dim3A_77 = vector.broadcast %jit3A_76 : f32 to vector<1024x128xf32>
    %select_n3A_78 = arith.select %lt3A_75, %roll3A_72, %broadcast_in_dim3A_77 : vector<1024x128xi1>, vector<1024x128xf32>
    %add3A_79 = arith.addf %add3A_70, %select_n3A_78 : vector<1024x128xf32>
    %roll3A_80 = arith.constant 2 : i32
    %roll3A_81 = tpu.dynamic_rotate %sub3A by %roll3A_80 dim 0 : vector<1024x128xf32>, i32 -> vector<1024x128xf32>
    %ge3A_82 = arith.constant 2 : i32
    %ge3A_83 = vector.broadcast %ge3A_82 : i32 to vector<1024x128xi32>
    %ge3A_84 = arith.cmpi sge, %iota3A, %ge3A_83 : vector<1024x128xi32>
    %jit3A_85 = arith.constant 0.000000e+00 : f32
    %broadcast_in_dim3A_86 = vector.broadcast %jit3A_85 : f32 to vector<1024x128xf32>
    %select_n3A_87 = arith.select %ge3A_84, %roll3A_81, %broadcast_in_dim3A_86 : vector<1024x128xi1>, vector<1024x128xf32>
    %add3A_88 = arith.addf %add3A_79, %select_n3A_87 : vector<1024x128xf32>
    %roll3A_89 = arith.constant 1022 : i32
    %roll3A_90 = tpu.dynamic_rotate %sub3A by %roll3A_89 dim 0 : vector<1024x128xf32>, i32 -> vector<1024x128xf32>
    %lt3A_91 = arith.constant 1022 : i32
    %lt3A_92 = vector.broadcast %lt3A_91 : i32 to vector<1024x128xi32>
    %lt3A_93 = arith.cmpi slt, %iota3A, %lt3A_92 : vector<1024x128xi32>
    %jit3A_94 = arith.constant 0.000000e+00 : f32
    %broadcast_in_dim3A_95 = vector.broadcast %jit3A_94 : f32 to vector<1024x128xf32>
    %select_n3A_96 = arith.select %lt3A_93, %roll3A_90, %broadcast_in_dim3A_95 : vector<1024x128xi1>, vector<1024x128xf32>
    %add3A_97 = arith.addf %add3A_88, %select_n3A_96 : vector<1024x128xf32>
    %roll3A_98 = arith.constant 3 : i32
    %roll3A_99 = tpu.dynamic_rotate %sub3A by %roll3A_98 dim 0 : vector<1024x128xf32>, i32 -> vector<1024x128xf32>
    %ge3A_100 = arith.constant 3 : i32
    %ge3A_101 = vector.broadcast %ge3A_100 : i32 to vector<1024x128xi32>
    %ge3A_102 = arith.cmpi sge, %iota3A, %ge3A_101 : vector<1024x128xi32>
    %jit3A_103 = arith.constant 0.000000e+00 : f32
    %broadcast_in_dim3A_104 = vector.broadcast %jit3A_103 : f32 to vector<1024x128xf32>
    %select_n3A_105 = arith.select %ge3A_102, %roll3A_99, %broadcast_in_dim3A_104 : vector<1024x128xi1>, vector<1024x128xf32>
    %add3A_106 = arith.addf %add3A_97, %select_n3A_105 : vector<1024x128xf32>
    %roll3A_107 = arith.constant 1021 : i32
    %roll3A_108 = tpu.dynamic_rotate %sub3A by %roll3A_107 dim 0 : vector<1024x128xf32>, i32 -> vector<1024x128xf32>
    %lt3A_109 = arith.constant 1021 : i32
    %lt3A_110 = vector.broadcast %lt3A_109 : i32 to vector<1024x128xi32>
    %lt3A_111 = arith.cmpi slt, %iota3A, %lt3A_110 : vector<1024x128xi32>
    %jit3A_112 = arith.constant 0.000000e+00 : f32
    %broadcast_in_dim3A_113 = vector.broadcast %jit3A_112 : f32 to vector<1024x128xf32>
    %select_n3A_114 = arith.select %lt3A_111, %roll3A_108, %broadcast_in_dim3A_113 : vector<1024x128xi1>, vector<1024x128xf32>
    %add3A_115 = arith.addf %add3A_106, %select_n3A_114 : vector<1024x128xf32>
    %slice3A = vector.extract_strided_slice %div3A_63 {offsets = [0, 0], sizes = [1, 1], strides = [1, 1]} : vector<1x3xf32> to vector<1x1xf32>
    %mul3A_116 = arith.constant 0.333333343 : f32
    %mul3A_117 = vector.broadcast %mul3A_116 : f32 to vector<1x1xf32>
    %mul3A_118 = arith.mulf %slice3A, %mul3A_117 : vector<1x1xf32>
    %mul3A_119 = vector.broadcast %mul3A_118 : vector<1x1xf32> to vector<1024x128xf32>
    %mul3A_120 = arith.mulf %mul3A_119, %add3A_79 : vector<1024x128xf32>
    %slice3A_121 = vector.extract_strided_slice %div3A_63 {offsets = [0, 1], sizes = [1, 1], strides = [1, 1]} : vector<1x3xf32> to vector<1x1xf32>
    %mul3A_122 = arith.constant 2.000000e-01 : f32
    %mul3A_123 = vector.broadcast %mul3A_122 : f32 to vector<1x1xf32>
    %mul3A_124 = arith.mulf %slice3A_121, %mul3A_123 : vector<1x1xf32>
    %mul3A_125 = vector.broadcast %mul3A_124 : vector<1x1xf32> to vector<1024x128xf32>
    %mul3A_126 = arith.mulf %mul3A_125, %add3A_97 : vector<1024x128xf32>
    %add3A_127 = arith.addf %mul3A_120, %mul3A_126 : vector<1024x128xf32>
    %slice3A_128 = vector.extract_strided_slice %div3A_63 {offsets = [0, 2], sizes = [1, 1], strides = [1, 1]} : vector<1x3xf32> to vector<1x1xf32>
    %mul3A_129 = arith.constant 0.142857149 : f32
    %mul3A_130 = vector.broadcast %mul3A_129 : f32 to vector<1x1xf32>
    %mul3A_131 = arith.mulf %slice3A_128, %mul3A_130 : vector<1x1xf32>
    %mul3A_132 = vector.broadcast %mul3A_131 : vector<1x1xf32> to vector<1024x128xf32>
    %mul3A_133 = arith.mulf %mul3A_132, %add3A_115 : vector<1024x128xf32>
    %add3A_134 = arith.addf %add3A_127, %mul3A_133 : vector<1024x128xf32>
    %get3A_135 = arith.constant 0 : index
    %get3A_136 = arith.constant 0 : index
    %get3A_137 = vector.load %arg9[%get3A_135, %get3A_136] : memref<384x128xf32, #tpu.memory_space<vmem>>, vector<384x128xf32>
    %slice3A_138 = vector.extract_strided_slice %get3A_137 {offsets = [0, 0], sizes = [128, 128], strides = [1, 1]} : vector<384x128xf32> to vector<128x128xf32>
    %dot_general3A_139 = arith.constant dense<0.000000e+00> : vector<1024x128xf32>
    %dot_general3A_140 = tpu.matmul %get3A_3, %slice3A_138, %dot_general3A_139 {dimension_numbers = #tpu.dot_dimension_numbers<[1], [0], [0], [1], [0, 0, 1, 1], [], []>, transpose_lhs_hint = false} : vector<1024x128xf32>, vector<128x128xf32>, vector<1024x128xf32> -> vector<1024x128xf32>
    %slice3A_141 = vector.extract_strided_slice %get3A_137 {offsets = [128, 0], sizes = [128, 128], strides = [1, 1]} : vector<384x128xf32> to vector<128x128xf32>
    %dot_general3A_142 = arith.constant dense<0.000000e+00> : vector<1024x128xf32>
    %dot_general3A_143 = tpu.matmul %add3A_41, %slice3A_141, %dot_general3A_142 {dimension_numbers = #tpu.dot_dimension_numbers<[1], [0], [0], [1], [0, 0, 1, 1], [], []>, transpose_lhs_hint = false} : vector<1024x128xf32>, vector<128x128xf32>, vector<1024x128xf32> -> vector<1024x128xf32>
    %add3A_144 = arith.addf %dot_general3A_140, %dot_general3A_143 : vector<1024x128xf32>
    %slice3A_145 = vector.extract_strided_slice %get3A_137 {offsets = [256, 0], sizes = [128, 128], strides = [1, 1]} : vector<384x128xf32> to vector<128x128xf32>
    %dot_general3A_146 = arith.constant dense<0.000000e+00> : vector<1024x128xf32>
    %dot_general3A_147 = tpu.matmul %add3A_134, %slice3A_145, %dot_general3A_146 {dimension_numbers = #tpu.dot_dimension_numbers<[1], [0], [0], [1], [0, 0, 1, 1], [], []>, transpose_lhs_hint = false} : vector<1024x128xf32>, vector<128x128xf32>, vector<1024x128xf32> -> vector<1024x128xf32>
    %add3A_148 = arith.addf %add3A_144, %dot_general3A_147 : vector<1024x128xf32>
    %get3A_149 = arith.constant 0 : index
    %get3A_150 = arith.constant 0 : index
    %get3A_151 = vector.load %arg10[%get3A_149, %get3A_150] : memref<1x128xf32, #tpu.memory_space<vmem>>, vector<1x128xf32>
    %add3A_152 = vector.broadcast %get3A_151 : vector<1x128xf32> to vector<1024x128xf32>
    %add3A_153 = arith.addf %add3A_148, %add3A_152 : vector<1024x128xf32>
    %get3A_154 = arith.constant 0 : index
    %get3A_155 = arith.constant 0 : index
    %get3A_156 = arith.constant 0 : index
    %get3A_157 = vector.load %arg5[%get3A_154, %get3A_155, %get3A_156] : memref<1x1024x128xf32, #tpu.memory_space<vmem>>, vector<1x1024x128xf32>
    %get3A_158 = vector.shape_cast %get3A_157 : vector<1x1024x128xf32> to vector<1024x128xf32>
    %add3A_159 = arith.addf %add3A_153, %get3A_158 : vector<1024x128xf32>
    %get3A_160 = arith.constant 0 : index
    %get3A_161 = arith.constant 0 : index
    %get3A_162 = vector.load %arg11[%get3A_160, %get3A_161] : memref<128x4xf32, #tpu.memory_space<vmem>>, vector<128x4xf32>
    %dot_general3A_163 = arith.constant dense<0.000000e+00> : vector<1024x4xf32>
    %dot_general3A_164 = tpu.matmul %add3A_159, %get3A_162, %dot_general3A_163 {dimension_numbers = #tpu.dot_dimension_numbers<[1], [0], [0], [1], [0, 0, 1, 1], [], []>, transpose_lhs_hint = false} : vector<1024x128xf32>, vector<128x4xf32>, vector<1024x4xf32> -> vector<1024x4xf32>
    %get3A_165 = arith.constant 0 : index
    %get3A_166 = arith.constant 0 : index
    %get3A_167 = vector.load %arg12[%get3A_165, %get3A_166] : memref<1x4xf32, #tpu.memory_space<vmem>>, vector<1x4xf32>
    %add3A_168 = vector.broadcast %get3A_167 : vector<1x4xf32> to vector<1024x4xf32>
    %add3A_169 = arith.addf %dot_general3A_164, %add3A_168 : vector<1024x4xf32>
    %get3A_170 = arith.constant 0 : index
    %get3A_171 = arith.constant 0 : index
    %get3A_172 = vector.load %arg13[%get3A_170, %get3A_171] : memref<128x4xf32, #tpu.memory_space<vmem>>, vector<128x4xf32>
    %dot_general3A_173 = arith.constant dense<0.000000e+00> : vector<1024x4xf32>
    %dot_general3A_174 = tpu.matmul %add3A_159, %get3A_172, %dot_general3A_173 {dimension_numbers = #tpu.dot_dimension_numbers<[1], [0], [0], [1], [0, 0, 1, 1], [], []>, transpose_lhs_hint = false} : vector<1024x128xf32>, vector<128x4xf32>, vector<1024x4xf32> -> vector<1024x4xf32>
    %get3A_175 = arith.constant 0 : index
    %get3A_176 = arith.constant 0 : index
    %get3A_177 = vector.load %arg14[%get3A_175, %get3A_176] : memref<1x4xf32, #tpu.memory_space<vmem>>, vector<1x4xf32>
    %add3A_178 = vector.broadcast %get3A_177 : vector<1x4xf32> to vector<1024x4xf32>
    %add3A_179 = arith.addf %dot_general3A_174, %add3A_178 : vector<1024x4xf32>
    %custom_jvp_call3A = arith.constant 0.000000e+00 : f32
    %max3A_180 = vector.broadcast %custom_jvp_call3A : f32 to vector<1024x4xf32>
    %max3A_181 = arith.maximumf %add3A_179, %max3A_180 : vector<1024x4xf32>
    %sub3A_182 = vector.broadcast %custom_jvp_call3A : f32 to vector<1024x4xf32>
    %sub3A_183 = arith.subf %add3A_179, %sub3A_182 : vector<1024x4xf32>
    %ne3A_184 = arith.cmpf one, %sub3A_183, %sub3A_183 : vector<1024x4xf32>
    %add3A_185 = vector.broadcast %custom_jvp_call3A : f32 to vector<1024x4xf32>
    %add3A_186 = arith.addf %add3A_179, %add3A_185 : vector<1024x4xf32>
    %abs3A = math.absf %sub3A_183 : vector<1024x4xf32>
    %neg3A = arith.constant 0.000000e+00 : f32
    %neg3A_187 = vector.broadcast %neg3A : f32 to vector<1024x4xf32>
    %neg3A_188 = arith.subf %neg3A_187, %abs3A : vector<1024x4xf32>
    %exp3A_189 = math.exp %neg3A_188 : vector<1024x4xf32>
    %log1p3A = math.log1p %exp3A_189 : vector<1024x4xf32>
    %add3A_190 = arith.addf %max3A_181, %log1p3A : vector<1024x4xf32>
    %select_n3A_191 = arith.select %ne3A_184, %add3A_186, %add3A_190 : vector<1024x4xi1>, vector<1024x4xf32>
    %get3A_192 = arith.constant 0 : index
    %get3A_193 = arith.constant 0 : index
    %get3A_194 = arith.constant 0 : index
    %get3A_195 = vector.load %arg6[%get3A_192, %get3A_193, %get3A_194] : memref<1x1024x4xf32, #tpu.memory_space<vmem>>, vector<1x1024x4xf32>
    %get3A_196 = vector.shape_cast %get3A_195 : vector<1x1024x4xf32> to vector<1024x4xf32>
    %mul3A_197 = arith.mulf %get3A_196, %select_n3A_191 : vector<1024x4xf32>
    %add3A_198 = arith.addf %add3A_169, %mul3A_197 : vector<1024x4xf32>
    %reduce_max3A_199 = arith.constant dense<0xFF800000> : vector<1024xf32>
    %reduce_max3A_200 = vector.multi_reduction <maximumf>, %add3A_198, %reduce_max3A_199 [1] : vector<1024x4xf32> to vector<1024xf32>
    %max3A_201 = arith.constant 0xFF800000 : f32
    %max3A_202 = vector.broadcast %max3A_201 : f32 to vector<1024xf32>
    %max3A_203 = arith.maximumf %max3A_202, %reduce_max3A_200 : vector<1024xf32>
    %broadcast_in_dim3A_204 = vector.shape_cast %max3A_203 : vector<1024xf32> to vector<1024x1xf32>
    %sub3A_205 = vector.broadcast %broadcast_in_dim3A_204 : vector<1024x1xf32> to vector<1024x4xf32>
    %sub3A_206 = arith.subf %add3A_198, %sub3A_205 : vector<1024x4xf32>
    %exp3A_207 = math.exp %sub3A_206 : vector<1024x4xf32>
    %reduce_sum3A_208 = arith.constant dense<0.000000e+00> : vector<1024xf32>
    %reduce_sum3A_209 = vector.multi_reduction <add>, %exp3A_207, %reduce_sum3A_208 [1] : vector<1024x4xf32> to vector<1024xf32>
    %broadcast_in_dim3A_210 = vector.shape_cast %reduce_sum3A_209 : vector<1024xf32> to vector<1024x1xf32>
    %div3A_211 = vector.broadcast %broadcast_in_dim3A_210 : vector<1024x1xf32> to vector<1024x4xf32>
    %div3A_212 = arith.divf %exp3A_207, %div3A_211 : vector<1024x4xf32>
    %iota3A_213 = tpu.iota {dimensions = array<i32: 1>} : vector<1024x4xi32>
    %reduce_max3A_214 = arith.constant dense<0xFF800000> : vector<1024xf32>
    %reduce_max3A_215 = vector.multi_reduction <maximumf>, %div3A_212, %reduce_max3A_214 [1] : vector<1024x4xf32> to vector<1024xf32>
    %broadcast_in_dim3A_216 = vector.shape_cast %reduce_max3A_215 : vector<1024xf32> to vector<1024x1xf32>
    %eq3A_217 = vector.broadcast %broadcast_in_dim3A_216 : vector<1024x1xf32> to vector<1024x4xf32>
    %eq3A_218 = arith.cmpf oeq, %div3A_212, %eq3A_217 : vector<1024x4xf32>
    %jit3A_219 = arith.constant 4 : i32
    %broadcast_in_dim3A_220 = vector.broadcast %jit3A_219 : i32 to vector<1024x4xi32>
    %select_n3A_221 = arith.select %eq3A_218, %iota3A_213, %broadcast_in_dim3A_220 : vector<1024x4xi1>, vector<1024x4xi32>
    %reduce_min3A = arith.constant dense<2147483647> : vector<1024xi32>
    %reduce_min3A_222 = vector.multi_reduction <minsi>, %select_n3A_221, %reduce_min3A [1] : vector<1024x4xi32> to vector<1024xi32>
    %broadcast_in_dim3A_223 = vector.shape_cast %reduce_min3A_222 : vector<1024xi32> to vector<1024x1xi32>
    %eq3A_224 = vector.broadcast %broadcast_in_dim3A_223 : vector<1024x1xi32> to vector<1024x4xi32>
    %eq3A_225 = arith.cmpi eq, %iota3A_213, %eq3A_224 : vector<1024x4xi32>
    %jit3A_226 = arith.constant -1.000000e+00 : f32
    %broadcast_in_dim3A_227 = vector.broadcast %jit3A_226 : f32 to vector<1024x4xf32>
    %select_n3A_228 = arith.select %eq3A_225, %broadcast_in_dim3A_227, %div3A_212 : vector<1024x4xi1>, vector<1024x4xf32>
    %reduce_max3A_229 = arith.constant dense<0xFF800000> : vector<1024xf32>
    %reduce_max3A_230 = vector.multi_reduction <maximumf>, %select_n3A_228, %reduce_max3A_229 [1] : vector<1024x4xf32> to vector<1024xf32>
    %broadcast_in_dim3A_231 = vector.shape_cast %reduce_max3A_230 : vector<1024xf32> to vector<1024x1xf32>
    %eq3A_232 = vector.broadcast %broadcast_in_dim3A_231 : vector<1024x1xf32> to vector<1024x4xf32>
    %eq3A_233 = arith.cmpf oeq, %select_n3A_228, %eq3A_232 : vector<1024x4xf32>
    %jit3A_234 = arith.constant 4 : i32
    %broadcast_in_dim3A_235 = vector.broadcast %jit3A_234 : i32 to vector<1024x4xi32>
    %select_n3A_236 = arith.select %eq3A_233, %iota3A_213, %broadcast_in_dim3A_235 : vector<1024x4xi1>, vector<1024x4xi32>
    %reduce_min3A_237 = arith.constant dense<2147483647> : vector<1024xi32>
    %reduce_min3A_238 = vector.multi_reduction <minsi>, %select_n3A_236, %reduce_min3A_237 [1] : vector<1024x4xi32> to vector<1024xi32>
    %broadcast_in_dim3A_239 = vector.shape_cast %reduce_min3A_238 : vector<1024xi32> to vector<1024x1xi32>
    %eq3A_240 = vector.broadcast %broadcast_in_dim3A_239 : vector<1024x1xi32> to vector<1024x4xi32>
    %eq3A_241 = arith.cmpi eq, %iota3A_213, %eq3A_240 : vector<1024x4xi32>
    %jit3A_242 = arith.constant -1.000000e+00 : f32
    %broadcast_in_dim3A_243 = vector.broadcast %jit3A_242 : f32 to vector<1024x4xf32>
    %select_n3A_244 = arith.select %eq3A_241, %broadcast_in_dim3A_243, %select_n3A_228 : vector<1024x4xi1>, vector<1024x4xf32>
    %reduce_max3A_245 = arith.constant dense<0xFF800000> : vector<1024xf32>
    %reduce_max3A_246 = vector.multi_reduction <maximumf>, %select_n3A_244, %reduce_max3A_245 [1] : vector<1024x4xf32> to vector<1024xf32>
    %broadcast_in_dim3A_247 = vector.shape_cast %reduce_max3A_246 : vector<1024xf32> to vector<1024x1xf32>
    %eq3A_248 = vector.broadcast %broadcast_in_dim3A_247 : vector<1024x1xf32> to vector<1024x4xf32>
    %eq3A_249 = arith.cmpf oeq, %select_n3A_244, %eq3A_248 : vector<1024x4xf32>
    %jit3A_250 = arith.constant 4 : i32
    %broadcast_in_dim3A_251 = vector.broadcast %jit3A_250 : i32 to vector<1024x4xi32>
    %select_n3A_252 = arith.select %eq3A_249, %iota3A_213, %broadcast_in_dim3A_251 : vector<1024x4xi1>, vector<1024x4xi32>
    %reduce_min3A_253 = arith.constant dense<2147483647> : vector<1024xi32>
    %reduce_min3A_254 = vector.multi_reduction <minsi>, %select_n3A_252, %reduce_min3A_253 [1] : vector<1024x4xi32> to vector<1024xi32>
    %broadcast_in_dim3A_255 = vector.shape_cast %reduce_min3A_254 : vector<1024xi32> to vector<1024x1xi32>
    %iota3A_256 = tpu.iota {dimensions = array<i32: 0>} : vector<1024x1xi32>
    %broadcast_in_dim3A_257 = arith.constant 0.000000e+00 : f32
    %broadcast_in_dim3A_258 = vector.broadcast %broadcast_in_dim3A_257 : f32 to vector<8x8xf32>
    %swap3A = arith.constant 0 : index
    %swap3A_259 = arith.constant 0 : index
    %swap3A_260 = arith.constant 0 : index
    %swap3A_261 = vector.load %arg15[%swap3A, %swap3A_259, %swap3A_260] : memref<1x8x8xf32, #tpu.memory_space<vmem>>, vector<1x8x8xf32>
    %swap3A_262 = vector.shape_cast %swap3A_261 : vector<1x8x8xf32> to vector<8x8xf32>
    %swap3A_263 = vector.shape_cast %broadcast_in_dim3A_258 : vector<8x8xf32> to vector<1x8x8xf32>
    tpu.vector_store %arg15[%swap3A, %swap3A_259, %swap3A_260], %swap3A_263 {strides = array<i32>} : memref<1x8x8xf32, #tpu.memory_space<vmem>>, vector<1x8x8xf32>,
    %eq3A_264 = arith.constant 0 : i32
    %eq3A_265 = vector.broadcast %eq3A_264 : i32 to vector<1024x1xi32>
    %eq3A_266 = arith.cmpi eq, %broadcast_in_dim3A_223, %eq3A_265 : vector<1024x1xi32>
    %jit3A_267 = arith.constant -1 : i32
    %broadcast_in_dim3A_268 = vector.broadcast %jit3A_267 : i32 to vector<1024x1xi32>
    %select_n3A_269 = arith.select %eq3A_266, %iota3A_256, %broadcast_in_dim3A_268 : vector<1024x1xi1>, vector<1024x1xi32>
    %reduce_max3A_270 = arith.constant dense<-2147483648> : vector<1xi32>
    %reduce_max3A_271 = vector.multi_reduction <maxsi>, %select_n3A_269, %reduce_max3A_270 [0] : vector<1024x1xi32> to vector<1xi32>
    %broadcast_in_dim3A_272 = vector.shape_cast %reduce_max3A_271 : vector<1xi32> to vector<1x1xi32>
    %eq3A_273 = vector.broadcast %broadcast_in_dim3A_272 : vector<1x1xi32> to vector<1024x1xi32>
    %eq3A_274 = arith.cmpi eq, %iota3A_256, %eq3A_273 : vector<1024x1xi32>
    %and3A_275 = arith.andi %eq3A_266, %eq3A_274 : vector<1024x1xi1>
    %jit3A_276 = arith.constant 0.000000e+00 : f32
    %broadcast_in_dim3A_277 = vector.broadcast %jit3A_276 : f32 to vector<1024x1xf32>
    %select_n3A_278 = arith.select %and3A_275, %broadcast_in_dim3A_216, %broadcast_in_dim3A_277 : vector<1024x1xi1>, vector<1024x1xf32>
    %reduce_sum3A_279 = arith.constant dense<0.000000e+00> : vector<1xf32>
    %reduce_sum3A_280 = vector.multi_reduction <add>, %select_n3A_278, %reduce_sum3A_279 [0] : vector<1024x1xf32> to vector<1xf32>
    %broadcast_in_dim3A_281 = vector.shape_cast %reduce_sum3A_280 : vector<1xf32> to vector<1x1xf32>
    %swap3A_282 = arith.constant 0 : index
    %swap3A_283 = arith.constant 0 : index
    %swap3A_284 = arith.constant 0 : index
    %swap3A_285 = vector.load %arg15[%swap3A_282, %swap3A_283, %swap3A_284] : memref<1x8x8xf32, #tpu.memory_space<vmem>>, vector<1x1x1xf32>
    %swap3A_286 = vector.shape_cast %swap3A_285 : vector<1x1x1xf32> to vector<1x1xf32>
    %swap3A_287 = vector.shape_cast %broadcast_in_dim3A_281 : vector<1x1xf32> to vector<1x1x1xf32>
    tpu.vector_store %arg15[%swap3A_282, %swap3A_283, %swap3A_284], %swap3A_287 {strides = array<i32>} : memref<1x8x8xf32, #tpu.memory_space<vmem>>, vector<1x1x1xf32>,
    %eq3A_288 = arith.constant 0 : i32
    %eq3A_289 = vector.broadcast %eq3A_288 : i32 to vector<1024x1xi32>
    %eq3A_290 = arith.cmpi eq, %broadcast_in_dim3A_239, %eq3A_289 : vector<1024x1xi32>
    %jit3A_291 = arith.constant -1 : i32
    %broadcast_in_dim3A_292 = vector.broadcast %jit3A_291 : i32 to vector<1024x1xi32>
    %select_n3A_293 = arith.select %eq3A_290, %iota3A_256, %broadcast_in_dim3A_292 : vector<1024x1xi1>, vector<1024x1xi32>
    %reduce_max3A_294 = arith.constant dense<-2147483648> : vector<1xi32>
    %reduce_max3A_295 = vector.multi_reduction <maxsi>, %select_n3A_293, %reduce_max3A_294 [0] : vector<1024x1xi32> to vector<1xi32>
    %broadcast_in_dim3A_296 = vector.shape_cast %reduce_max3A_295 : vector<1xi32> to vector<1x1xi32>
    %eq3A_297 = vector.broadcast %broadcast_in_dim3A_296 : vector<1x1xi32> to vector<1024x1xi32>
    %eq3A_298 = arith.cmpi eq, %iota3A_256, %eq3A_297 : vector<1024x1xi32>
    %and3A_299 = arith.andi %eq3A_290, %eq3A_298 : vector<1024x1xi1>
    %jit3A_300 = arith.constant 0.000000e+00 : f32
    %broadcast_in_dim3A_301 = vector.broadcast %jit3A_300 : f32 to vector<1024x1xf32>
    %select_n3A_302 = arith.select %and3A_299, %broadcast_in_dim3A_231, %broadcast_in_dim3A_301 : vector<1024x1xi1>, vector<1024x1xf32>
    %reduce_sum3A_303 = arith.constant dense<0.000000e+00> : vector<1xf32>
    %reduce_sum3A_304 = vector.multi_reduction <add>, %select_n3A_302, %reduce_sum3A_303 [0] : vector<1024x1xf32> to vector<1xf32>
    %broadcast_in_dim3A_305 = vector.shape_cast %reduce_sum3A_304 : vector<1xf32> to vector<1x1xf32>
    %swap3A_306 = arith.constant 0 : index
    %swap3A_307 = arith.constant 0 : index
    %swap3A_308 = arith.constant 1 : index
    %swap3A_309 = vector.load %arg15[%swap3A_306, %swap3A_307, %swap3A_308] : memref<1x8x8xf32, #tpu.memory_space<vmem>>, vector<1x1x1xf32>
    %swap3A_310 = vector.shape_cast %swap3A_309 : vector<1x1x1xf32> to vector<1x1xf32>
    %swap3A_311 = vector.shape_cast %broadcast_in_dim3A_305 : vector<1x1xf32> to vector<1x1x1xf32>
    tpu.vector_store %arg15[%swap3A_306, %swap3A_307, %swap3A_308], %swap3A_311 {strides = array<i32>} : memref<1x8x8xf32, #tpu.memory_space<vmem>>, vector<1x1x1xf32>,
    %eq3A_312 = arith.constant 0 : i32
    %eq3A_313 = vector.broadcast %eq3A_312 : i32 to vector<1024x1xi32>
    %eq3A_314 = arith.cmpi eq, %broadcast_in_dim3A_255, %eq3A_313 : vector<1024x1xi32>
    %jit3A_315 = arith.constant -1 : i32
    %broadcast_in_dim3A_316 = vector.broadcast %jit3A_315 : i32 to vector<1024x1xi32>
    %select_n3A_317 = arith.select %eq3A_314, %iota3A_256, %broadcast_in_dim3A_316 : vector<1024x1xi1>, vector<1024x1xi32>
    %reduce_max3A_318 = arith.constant dense<-2147483648> : vector<1xi32>
    %reduce_max3A_319 = vector.multi_reduction <maxsi>, %select_n3A_317, %reduce_max3A_318 [0] : vector<1024x1xi32> to vector<1xi32>
    %broadcast_in_dim3A_320 = vector.shape_cast %reduce_max3A_319 : vector<1xi32> to vector<1x1xi32>
    %eq3A_321 = vector.broadcast %broadcast_in_dim3A_320 : vector<1x1xi32> to vector<1024x1xi32>
    %eq3A_322 = arith.cmpi eq, %iota3A_256, %eq3A_321 : vector<1024x1xi32>
    %and3A_323 = arith.andi %eq3A_314, %eq3A_322 : vector<1024x1xi1>
    %jit3A_324 = arith.constant 0.000000e+00 : f32
    %broadcast_in_dim3A_325 = vector.broadcast %jit3A_324 : f32 to vector<1024x1xf32>
    %select_n3A_326 = arith.select %and3A_323, %broadcast_in_dim3A_247, %broadcast_in_dim3A_325 : vector<1024x1xi1>, vector<1024x1xf32>
    %reduce_sum3A_327 = arith.constant dense<0.000000e+00> : vector<1xf32>
    %reduce_sum3A_328 = vector.multi_reduction <add>, %select_n3A_326, %reduce_sum3A_327 [0] : vector<1024x1xf32> to vector<1xf32>
    %broadcast_in_dim3A_329 = vector.shape_cast %reduce_sum3A_328 : vector<1xf32> to vector<1x1xf32>
    %swap3A_330 = arith.constant 0 : index
    %swap3A_331 = arith.constant 0 : index
    %swap3A_332 = arith.constant 2 : index
    %swap3A_333 = vector.load %arg15[%swap3A_330, %swap3A_331, %swap3A_332] : memref<1x8x8xf32, #tpu.memory_space<vmem>>, vector<1x1x1xf32>
    %swap3A_334 = vector.shape_cast %swap3A_333 : vector<1x1x1xf32> to vector<1x1xf32>
    %swap3A_335 = vector.shape_cast %broadcast_in_dim3A_329 : vector<1x1xf32> to vector<1x1x1xf32>
    tpu.vector_store %arg15[%swap3A_330, %swap3A_331, %swap3A_332], %swap3A_335 {strides = array<i32>} : memref<1x8x8xf32, #tpu.memory_space<vmem>>, vector<1x1x1xf32>,
    %eq3A_336 = arith.constant 1 : i32
    %eq3A_337 = vector.broadcast %eq3A_336 : i32 to vector<1024x1xi32>
    %eq3A_338 = arith.cmpi eq, %broadcast_in_dim3A_223, %eq3A_337 : vector<1024x1xi32>
    %jit3A_339 = arith.constant -1 : i32
    %broadcast_in_dim3A_340 = vector.broadcast %jit3A_339 : i32 to vector<1024x1xi32>
    %select_n3A_341 = arith.select %eq3A_338, %iota3A_256, %broadcast_in_dim3A_340 : vector<1024x1xi1>, vector<1024x1xi32>
    %reduce_max3A_342 = arith.constant dense<-2147483648> : vector<1xi32>
    %reduce_max3A_343 = vector.multi_reduction <maxsi>, %select_n3A_341, %reduce_max3A_342 [0] : vector<1024x1xi32> to vector<1xi32>
    %broadcast_in_dim3A_344 = vector.shape_cast %reduce_max3A_343 : vector<1xi32> to vector<1x1xi32>
    %eq3A_345 = vector.broadcast %broadcast_in_dim3A_344 : vector<1x1xi32> to vector<1024x1xi32>
    %eq3A_346 = arith.cmpi eq, %iota3A_256, %eq3A_345 : vector<1024x1xi32>
    %and3A_347 = arith.andi %eq3A_338, %eq3A_346 : vector<1024x1xi1>
    %jit3A_348 = arith.constant 0.000000e+00 : f32
    %broadcast_in_dim3A_349 = vector.broadcast %jit3A_348 : f32 to vector<1024x1xf32>
    %select_n3A_350 = arith.select %and3A_347, %broadcast_in_dim3A_216, %broadcast_in_dim3A_349 : vector<1024x1xi1>, vector<1024x1xf32>
    %reduce_sum3A_351 = arith.constant dense<0.000000e+00> : vector<1xf32>
    %reduce_sum3A_352 = vector.multi_reduction <add>, %select_n3A_350, %reduce_sum3A_351 [0] : vector<1024x1xf32> to vector<1xf32>
    %broadcast_in_dim3A_353 = vector.shape_cast %reduce_sum3A_352 : vector<1xf32> to vector<1x1xf32>
    %swap3A_354 = arith.constant 0 : index
    %swap3A_355 = arith.constant 1 : index
    %swap3A_356 = arith.constant 0 : index
    %swap3A_357 = vector.load %arg15[%swap3A_354, %swap3A_355, %swap3A_356] : memref<1x8x8xf32, #tpu.memory_space<vmem>>, vector<1x1x1xf32>
    %swap3A_358 = vector.shape_cast %swap3A_357 : vector<1x1x1xf32> to vector<1x1xf32>
    %swap3A_359 = vector.shape_cast %broadcast_in_dim3A_353 : vector<1x1xf32> to vector<1x1x1xf32>
    tpu.vector_store %arg15[%swap3A_354, %swap3A_355, %swap3A_356], %swap3A_359 {strides = array<i32>} : memref<1x8x8xf32, #tpu.memory_space<vmem>>, vector<1x1x1xf32>,
    %eq3A_360 = arith.constant 1 : i32
    %eq3A_361 = vector.broadcast %eq3A_360 : i32 to vector<1024x1xi32>
    %eq3A_362 = arith.cmpi eq, %broadcast_in_dim3A_239, %eq3A_361 : vector<1024x1xi32>
    %jit3A_363 = arith.constant -1 : i32
    %broadcast_in_dim3A_364 = vector.broadcast %jit3A_363 : i32 to vector<1024x1xi32>
    %select_n3A_365 = arith.select %eq3A_362, %iota3A_256, %broadcast_in_dim3A_364 : vector<1024x1xi1>, vector<1024x1xi32>
    %reduce_max3A_366 = arith.constant dense<-2147483648> : vector<1xi32>
    %reduce_max3A_367 = vector.multi_reduction <maxsi>, %select_n3A_365, %reduce_max3A_366 [0] : vector<1024x1xi32> to vector<1xi32>
    %broadcast_in_dim3A_368 = vector.shape_cast %reduce_max3A_367 : vector<1xi32> to vector<1x1xi32>
    %eq3A_369 = vector.broadcast %broadcast_in_dim3A_368 : vector<1x1xi32> to vector<1024x1xi32>
    %eq3A_370 = arith.cmpi eq, %iota3A_256, %eq3A_369 : vector<1024x1xi32>
    %and3A_371 = arith.andi %eq3A_362, %eq3A_370 : vector<1024x1xi1>
    %jit3A_372 = arith.constant 0.000000e+00 : f32
    %broadcast_in_dim3A_373 = vector.broadcast %jit3A_372 : f32 to vector<1024x1xf32>
    %select_n3A_374 = arith.select %and3A_371, %broadcast_in_dim3A_231, %broadcast_in_dim3A_373 : vector<1024x1xi1>, vector<1024x1xf32>
    %reduce_sum3A_375 = arith.constant dense<0.000000e+00> : vector<1xf32>
    %reduce_sum3A_376 = vector.multi_reduction <add>, %select_n3A_374, %reduce_sum3A_375 [0] : vector<1024x1xf32> to vector<1xf32>
    %broadcast_in_dim3A_377 = vector.shape_cast %reduce_sum3A_376 : vector<1xf32> to vector<1x1xf32>
    %swap3A_378 = arith.constant 0 : index
    %swap3A_379 = arith.constant 1 : index
    %swap3A_380 = arith.constant 1 : index
    %swap3A_381 = vector.load %arg15[%swap3A_378, %swap3A_379, %swap3A_380] : memref<1x8x8xf32, #tpu.memory_space<vmem>>, vector<1x1x1xf32>
    %swap3A_382 = vector.shape_cast %swap3A_381 : vector<1x1x1xf32> to vector<1x1xf32>
    %swap3A_383 = vector.shape_cast %broadcast_in_dim3A_377 : vector<1x1xf32> to vector<1x1x1xf32>
    tpu.vector_store %arg15[%swap3A_378, %swap3A_379, %swap3A_380], %swap3A_383 {strides = array<i32>} : memref<1x8x8xf32, #tpu.memory_space<vmem>>, vector<1x1x1xf32>,
    %eq3A_384 = arith.constant 1 : i32
    %eq3A_385 = vector.broadcast %eq3A_384 : i32 to vector<1024x1xi32>
    %eq3A_386 = arith.cmpi eq, %broadcast_in_dim3A_255, %eq3A_385 : vector<1024x1xi32>
    %jit3A_387 = arith.constant -1 : i32
    %broadcast_in_dim3A_388 = vector.broadcast %jit3A_387 : i32 to vector<1024x1xi32>
    %select_n3A_389 = arith.select %eq3A_386, %iota3A_256, %broadcast_in_dim3A_388 : vector<1024x1xi1>, vector<1024x1xi32>
    %reduce_max3A_390 = arith.constant dense<-2147483648> : vector<1xi32>
    %reduce_max3A_391 = vector.multi_reduction <maxsi>, %select_n3A_389, %reduce_max3A_390 [0] : vector<1024x1xi32> to vector<1xi32>
    %broadcast_in_dim3A_392 = vector.shape_cast %reduce_max3A_391 : vector<1xi32> to vector<1x1xi32>
    %eq3A_393 = vector.broadcast %broadcast_in_dim3A_392 : vector<1x1xi32> to vector<1024x1xi32>
    %eq3A_394 = arith.cmpi eq, %iota3A_256, %eq3A_393 : vector<1024x1xi32>
    %and3A_395 = arith.andi %eq3A_386, %eq3A_394 : vector<1024x1xi1>
    %jit3A_396 = arith.constant 0.000000e+00 : f32
    %broadcast_in_dim3A_397 = vector.broadcast %jit3A_396 : f32 to vector<1024x1xf32>
    %select_n3A_398 = arith.select %and3A_395, %broadcast_in_dim3A_247, %broadcast_in_dim3A_397 : vector<1024x1xi1>, vector<1024x1xf32>
    %reduce_sum3A_399 = arith.constant dense<0.000000e+00> : vector<1xf32>
    %reduce_sum3A_400 = vector.multi_reduction <add>, %select_n3A_398, %reduce_sum3A_399 [0] : vector<1024x1xf32> to vector<1xf32>
    %broadcast_in_dim3A_401 = vector.shape_cast %reduce_sum3A_400 : vector<1xf32> to vector<1x1xf32>
    %swap3A_402 = arith.constant 0 : index
    %swap3A_403 = arith.constant 1 : index
    %swap3A_404 = arith.constant 2 : index
    %swap3A_405 = vector.load %arg15[%swap3A_402, %swap3A_403, %swap3A_404] : memref<1x8x8xf32, #tpu.memory_space<vmem>>, vector<1x1x1xf32>
    %swap3A_406 = vector.shape_cast %swap3A_405 : vector<1x1x1xf32> to vector<1x1xf32>
    %swap3A_407 = vector.shape_cast %broadcast_in_dim3A_401 : vector<1x1xf32> to vector<1x1x1xf32>
    tpu.vector_store %arg15[%swap3A_402, %swap3A_403, %swap3A_404], %swap3A_407 {strides = array<i32>} : memref<1x8x8xf32, #tpu.memory_space<vmem>>, vector<1x1x1xf32>,
    %eq3A_408 = arith.constant 2 : i32
    %eq3A_409 = vector.broadcast %eq3A_408 : i32 to vector<1024x1xi32>
    %eq3A_410 = arith.cmpi eq, %broadcast_in_dim3A_223, %eq3A_409 : vector<1024x1xi32>
    %jit3A_411 = arith.constant -1 : i32
    %broadcast_in_dim3A_412 = vector.broadcast %jit3A_411 : i32 to vector<1024x1xi32>
    %select_n3A_413 = arith.select %eq3A_410, %iota3A_256, %broadcast_in_dim3A_412 : vector<1024x1xi1>, vector<1024x1xi32>
    %reduce_max3A_414 = arith.constant dense<-2147483648> : vector<1xi32>
    %reduce_max3A_415 = vector.multi_reduction <maxsi>, %select_n3A_413, %reduce_max3A_414 [0] : vector<1024x1xi32> to vector<1xi32>
    %broadcast_in_dim3A_416 = vector.shape_cast %reduce_max3A_415 : vector<1xi32> to vector<1x1xi32>
    %eq3A_417 = vector.broadcast %broadcast_in_dim3A_416 : vector<1x1xi32> to vector<1024x1xi32>
    %eq3A_418 = arith.cmpi eq, %iota3A_256, %eq3A_417 : vector<1024x1xi32>
    %and3A_419 = arith.andi %eq3A_410, %eq3A_418 : vector<1024x1xi1>
    %jit3A_420 = arith.constant 0.000000e+00 : f32
    %broadcast_in_dim3A_421 = vector.broadcast %jit3A_420 : f32 to vector<1024x1xf32>
    %select_n3A_422 = arith.select %and3A_419, %broadcast_in_dim3A_216, %broadcast_in_dim3A_421 : vector<1024x1xi1>, vector<1024x1xf32>
    %reduce_sum3A_423 = arith.constant dense<0.000000e+00> : vector<1xf32>
    %reduce_sum3A_424 = vector.multi_reduction <add>, %select_n3A_422, %reduce_sum3A_423 [0] : vector<1024x1xf32> to vector<1xf32>
    %broadcast_in_dim3A_425 = vector.shape_cast %reduce_sum3A_424 : vector<1xf32> to vector<1x1xf32>
    %swap3A_426 = arith.constant 0 : index
    %swap3A_427 = arith.constant 2 : index
    %swap3A_428 = arith.constant 0 : index
    %swap3A_429 = vector.load %arg15[%swap3A_426, %swap3A_427, %swap3A_428] : memref<1x8x8xf32, #tpu.memory_space<vmem>>, vector<1x1x1xf32>
    %swap3A_430 = vector.shape_cast %swap3A_429 : vector<1x1x1xf32> to vector<1x1xf32>
    %swap3A_431 = vector.shape_cast %broadcast_in_dim3A_425 : vector<1x1xf32> to vector<1x1x1xf32>
    tpu.vector_store %arg15[%swap3A_426, %swap3A_427, %swap3A_428], %swap3A_431 {strides = array<i32>} : memref<1x8x8xf32, #tpu.memory_space<vmem>>, vector<1x1x1xf32>,
    %eq3A_432 = arith.constant 2 : i32
    %eq3A_433 = vector.broadcast %eq3A_432 : i32 to vector<1024x1xi32>
    %eq3A_434 = arith.cmpi eq, %broadcast_in_dim3A_239, %eq3A_433 : vector<1024x1xi32>
    %jit3A_435 = arith.constant -1 : i32
    %broadcast_in_dim3A_436 = vector.broadcast %jit3A_435 : i32 to vector<1024x1xi32>
    %select_n3A_437 = arith.select %eq3A_434, %iota3A_256, %broadcast_in_dim3A_436 : vector<1024x1xi1>, vector<1024x1xi32>
    %reduce_max3A_438 = arith.constant dense<-2147483648> : vector<1xi32>
    %reduce_max3A_439 = vector.multi_reduction <maxsi>, %select_n3A_437, %reduce_max3A_438 [0] : vector<1024x1xi32> to vector<1xi32>
    %broadcast_in_dim3A_440 = vector.shape_cast %reduce_max3A_439 : vector<1xi32> to vector<1x1xi32>
    %eq3A_441 = vector.broadcast %broadcast_in_dim3A_440 : vector<1x1xi32> to vector<1024x1xi32>
    %eq3A_442 = arith.cmpi eq, %iota3A_256, %eq3A_441 : vector<1024x1xi32>
    %and3A_443 = arith.andi %eq3A_434, %eq3A_442 : vector<1024x1xi1>
    %jit3A_444 = arith.constant 0.000000e+00 : f32
    %broadcast_in_dim3A_445 = vector.broadcast %jit3A_444 : f32 to vector<1024x1xf32>
    %select_n3A_446 = arith.select %and3A_443, %broadcast_in_dim3A_231, %broadcast_in_dim3A_445 : vector<1024x1xi1>, vector<1024x1xf32>
    %reduce_sum3A_447 = arith.constant dense<0.000000e+00> : vector<1xf32>
    %reduce_sum3A_448 = vector.multi_reduction <add>, %select_n3A_446, %reduce_sum3A_447 [0] : vector<1024x1xf32> to vector<1xf32>
    %broadcast_in_dim3A_449 = vector.shape_cast %reduce_sum3A_448 : vector<1xf32> to vector<1x1xf32>
    %swap3A_450 = arith.constant 0 : index
    %swap3A_451 = arith.constant 2 : index
    %swap3A_452 = arith.constant 1 : index
    %swap3A_453 = vector.load %arg15[%swap3A_450, %swap3A_451, %swap3A_452] : memref<1x8x8xf32, #tpu.memory_space<vmem>>, vector<1x1x1xf32>
    %swap3A_454 = vector.shape_cast %swap3A_453 : vector<1x1x1xf32> to vector<1x1xf32>
    %swap3A_455 = vector.shape_cast %broadcast_in_dim3A_449 : vector<1x1xf32> to vector<1x1x1xf32>
    tpu.vector_store %arg15[%swap3A_450, %swap3A_451, %swap3A_452], %swap3A_455 {strides = array<i32>} : memref<1x8x8xf32, #tpu.memory_space<vmem>>, vector<1x1x1xf32>,
    %eq3A_456 = arith.constant 2 : i32
    %eq3A_457 = vector.broadcast %eq3A_456 : i32 to vector<1024x1xi32>
    %eq3A_458 = arith.cmpi eq, %broadcast_in_dim3A_255, %eq3A_457 : vector<1024x1xi32>
    %jit3A_459 = arith.constant -1 : i32
    %broadcast_in_dim3A_460 = vector.broadcast %jit3A_459 : i32 to vector<1024x1xi32>
    %select_n3A_461 = arith.select %eq3A_458, %iota3A_256, %broadcast_in_dim3A_460 : vector<1024x1xi1>, vector<1024x1xi32>
    %reduce_max3A_462 = arith.constant dense<-2147483648> : vector<1xi32>
    %reduce_max3A_463 = vector.multi_reduction <maxsi>, %select_n3A_461, %reduce_max3A_462 [0] : vector<1024x1xi32> to vector<1xi32>
    %broadcast_in_dim3A_464 = vector.shape_cast %reduce_max3A_463 : vector<1xi32> to vector<1x1xi32>
    %eq3A_465 = vector.broadcast %broadcast_in_dim3A_464 : vector<1x1xi32> to vector<1024x1xi32>
    %eq3A_466 = arith.cmpi eq, %iota3A_256, %eq3A_465 : vector<1024x1xi32>
    %and3A_467 = arith.andi %eq3A_458, %eq3A_466 : vector<1024x1xi1>
    %jit3A_468 = arith.constant 0.000000e+00 : f32
    %broadcast_in_dim3A_469 = vector.broadcast %jit3A_468 : f32 to vector<1024x1xf32>
    %select_n3A_470 = arith.select %and3A_467, %broadcast_in_dim3A_247, %broadcast_in_dim3A_469 : vector<1024x1xi1>, vector<1024x1xf32>
    %reduce_sum3A_471 = arith.constant dense<0.000000e+00> : vector<1xf32>
    %reduce_sum3A_472 = vector.multi_reduction <add>, %select_n3A_470, %reduce_sum3A_471 [0] : vector<1024x1xf32> to vector<1xf32>
    %broadcast_in_dim3A_473 = vector.shape_cast %reduce_sum3A_472 : vector<1xf32> to vector<1x1xf32>
    %swap3A_474 = arith.constant 0 : index
    %swap3A_475 = arith.constant 2 : index
    %swap3A_476 = arith.constant 2 : index
    %swap3A_477 = vector.load %arg15[%swap3A_474, %swap3A_475, %swap3A_476] : memref<1x8x8xf32, #tpu.memory_space<vmem>>, vector<1x1x1xf32>
    %swap3A_478 = vector.shape_cast %swap3A_477 : vector<1x1x1xf32> to vector<1x1xf32>
    %swap3A_479 = vector.shape_cast %broadcast_in_dim3A_473 : vector<1x1xf32> to vector<1x1x1xf32>
    tpu.vector_store %arg15[%swap3A_474, %swap3A_475, %swap3A_476], %swap3A_479 {strides = array<i32>} : memref<1x8x8xf32, #tpu.memory_space<vmem>>, vector<1x1x1xf32>,
    %eq3A_480 = arith.constant 3 : i32
    %eq3A_481 = vector.broadcast %eq3A_480 : i32 to vector<1024x1xi32>
    %eq3A_482 = arith.cmpi eq, %broadcast_in_dim3A_223, %eq3A_481 : vector<1024x1xi32>
    %jit3A_483 = arith.constant -1 : i32
    %broadcast_in_dim3A_484 = vector.broadcast %jit3A_483 : i32 to vector<1024x1xi32>
    %select_n3A_485 = arith.select %eq3A_482, %iota3A_256, %broadcast_in_dim3A_484 : vector<1024x1xi1>, vector<1024x1xi32>
    %reduce_max3A_486 = arith.constant dense<-2147483648> : vector<1xi32>
    %reduce_max3A_487 = vector.multi_reduction <maxsi>, %select_n3A_485, %reduce_max3A_486 [0] : vector<1024x1xi32> to vector<1xi32>
    %broadcast_in_dim3A_488 = vector.shape_cast %reduce_max3A_487 : vector<1xi32> to vector<1x1xi32>
    %eq3A_489 = vector.broadcast %broadcast_in_dim3A_488 : vector<1x1xi32> to vector<1024x1xi32>
    %eq3A_490 = arith.cmpi eq, %iota3A_256, %eq3A_489 : vector<1024x1xi32>
    %and3A_491 = arith.andi %eq3A_482, %eq3A_490 : vector<1024x1xi1>
    %jit3A_492 = arith.constant 0.000000e+00 : f32
    %broadcast_in_dim3A_493 = vector.broadcast %jit3A_492 : f32 to vector<1024x1xf32>
    %select_n3A_494 = arith.select %and3A_491, %broadcast_in_dim3A_216, %broadcast_in_dim3A_493 : vector<1024x1xi1>, vector<1024x1xf32>
    %reduce_sum3A_495 = arith.constant dense<0.000000e+00> : vector<1xf32>
    %reduce_sum3A_496 = vector.multi_reduction <add>, %select_n3A_494, %reduce_sum3A_495 [0] : vector<1024x1xf32> to vector<1xf32>
    %broadcast_in_dim3A_497 = vector.shape_cast %reduce_sum3A_496 : vector<1xf32> to vector<1x1xf32>
    %swap3A_498 = arith.constant 0 : index
    %swap3A_499 = arith.constant 3 : index
    %swap3A_500 = arith.constant 0 : index
    %swap3A_501 = vector.load %arg15[%swap3A_498, %swap3A_499, %swap3A_500] : memref<1x8x8xf32, #tpu.memory_space<vmem>>, vector<1x1x1xf32>
    %swap3A_502 = vector.shape_cast %swap3A_501 : vector<1x1x1xf32> to vector<1x1xf32>
    %swap3A_503 = vector.shape_cast %broadcast_in_dim3A_497 : vector<1x1xf32> to vector<1x1x1xf32>
    tpu.vector_store %arg15[%swap3A_498, %swap3A_499, %swap3A_500], %swap3A_503 {strides = array<i32>} : memref<1x8x8xf32, #tpu.memory_space<vmem>>, vector<1x1x1xf32>,
    %eq3A_504 = arith.constant 3 : i32
    %eq3A_505 = vector.broadcast %eq3A_504 : i32 to vector<1024x1xi32>
    %eq3A_506 = arith.cmpi eq, %broadcast_in_dim3A_239, %eq3A_505 : vector<1024x1xi32>
    %jit3A_507 = arith.constant -1 : i32
    %broadcast_in_dim3A_508 = vector.broadcast %jit3A_507 : i32 to vector<1024x1xi32>
    %select_n3A_509 = arith.select %eq3A_506, %iota3A_256, %broadcast_in_dim3A_508 : vector<1024x1xi1>, vector<1024x1xi32>
    %reduce_max3A_510 = arith.constant dense<-2147483648> : vector<1xi32>
    %reduce_max3A_511 = vector.multi_reduction <maxsi>, %select_n3A_509, %reduce_max3A_510 [0] : vector<1024x1xi32> to vector<1xi32>
    %broadcast_in_dim3A_512 = vector.shape_cast %reduce_max3A_511 : vector<1xi32> to vector<1x1xi32>
    %eq3A_513 = vector.broadcast %broadcast_in_dim3A_512 : vector<1x1xi32> to vector<1024x1xi32>
    %eq3A_514 = arith.cmpi eq, %iota3A_256, %eq3A_513 : vector<1024x1xi32>
    %and3A_515 = arith.andi %eq3A_506, %eq3A_514 : vector<1024x1xi1>
    %jit3A_516 = arith.constant 0.000000e+00 : f32
    %broadcast_in_dim3A_517 = vector.broadcast %jit3A_516 : f32 to vector<1024x1xf32>
    %select_n3A_518 = arith.select %and3A_515, %broadcast_in_dim3A_231, %broadcast_in_dim3A_517 : vector<1024x1xi1>, vector<1024x1xf32>
    %reduce_sum3A_519 = arith.constant dense<0.000000e+00> : vector<1xf32>
    %reduce_sum3A_520 = vector.multi_reduction <add>, %select_n3A_518, %reduce_sum3A_519 [0] : vector<1024x1xf32> to vector<1xf32>
    %broadcast_in_dim3A_521 = vector.shape_cast %reduce_sum3A_520 : vector<1xf32> to vector<1x1xf32>
    %swap3A_522 = arith.constant 0 : index
    %swap3A_523 = arith.constant 3 : index
    %swap3A_524 = arith.constant 1 : index
    %swap3A_525 = vector.load %arg15[%swap3A_522, %swap3A_523, %swap3A_524] : memref<1x8x8xf32, #tpu.memory_space<vmem>>, vector<1x1x1xf32>
    %swap3A_526 = vector.shape_cast %swap3A_525 : vector<1x1x1xf32> to vector<1x1xf32>
    %swap3A_527 = vector.shape_cast %broadcast_in_dim3A_521 : vector<1x1xf32> to vector<1x1x1xf32>
    tpu.vector_store %arg15[%swap3A_522, %swap3A_523, %swap3A_524], %swap3A_527 {strides = array<i32>} : memref<1x8x8xf32, #tpu.memory_space<vmem>>, vector<1x1x1xf32>,
    %eq3A_528 = arith.constant 3 : i32
    %eq3A_529 = vector.broadcast %eq3A_528 : i32 to vector<1024x1xi32>
    %eq3A_530 = arith.cmpi eq, %broadcast_in_dim3A_255, %eq3A_529 : vector<1024x1xi32>
    %jit3A_531 = arith.constant -1 : i32
    %broadcast_in_dim3A_532 = vector.broadcast %jit3A_531 : i32 to vector<1024x1xi32>
    %select_n3A_533 = arith.select %eq3A_530, %iota3A_256, %broadcast_in_dim3A_532 : vector<1024x1xi1>, vector<1024x1xi32>
    %reduce_max3A_534 = arith.constant dense<-2147483648> : vector<1xi32>
    %reduce_max3A_535 = vector.multi_reduction <maxsi>, %select_n3A_533, %reduce_max3A_534 [0] : vector<1024x1xi32> to vector<1xi32>
    %broadcast_in_dim3A_536 = vector.shape_cast %reduce_max3A_535 : vector<1xi32> to vector<1x1xi32>
    %eq3A_537 = vector.broadcast %broadcast_in_dim3A_536 : vector<1x1xi32> to vector<1024x1xi32>
    %eq3A_538 = arith.cmpi eq, %iota3A_256, %eq3A_537 : vector<1024x1xi32>
    %and3A_539 = arith.andi %eq3A_530, %eq3A_538 : vector<1024x1xi1>
    %jit3A_540 = arith.constant 0.000000e+00 : f32
    %broadcast_in_dim3A_541 = vector.broadcast %jit3A_540 : f32 to vector<1024x1xf32>
    %select_n3A_542 = arith.select %and3A_539, %broadcast_in_dim3A_247, %broadcast_in_dim3A_541 : vector<1024x1xi1>, vector<1024x1xf32>
    %reduce_sum3A_543 = arith.constant dense<0.000000e+00> : vector<1xf32>
    %reduce_sum3A_544 = vector.multi_reduction <add>, %select_n3A_542, %reduce_sum3A_543 [0] : vector<1024x1xf32> to vector<1xf32>
    %broadcast_in_dim3A_545 = vector.shape_cast %reduce_sum3A_544 : vector<1xf32> to vector<1x1xf32>
    %swap3A_546 = arith.constant 0 : index
    %swap3A_547 = arith.constant 3 : index
    %swap3A_548 = arith.constant 2 : index
    %swap3A_549 = vector.load %arg15[%swap3A_546, %swap3A_547, %swap3A_548] : memref<1x8x8xf32, #tpu.memory_space<vmem>>, vector<1x1x1xf32>
    %swap3A_550 = vector.shape_cast %swap3A_549 : vector<1x1x1xf32> to vector<1x1xf32>
    %swap3A_551 = vector.shape_cast %broadcast_in_dim3A_545 : vector<1x1xf32> to vector<1x1x1xf32>
    tpu.vector_store %arg15[%swap3A_546, %swap3A_547, %swap3A_548], %swap3A_551 {strides = array<i32>} : memref<1x8x8xf32, #tpu.memory_space<vmem>>, vector<1x1x1xf32>,
    return
  }
  func.func @transform_0(%arg0: i32) -> (i32, i32, i32) {
    %c0_i32 = arith.constant 0 : i32
    %c0_i32_0 = arith.constant 0 : i32
    %c0_i32_1 = arith.constant 0 : i32
    return %arg0, %c0_i32, %c0_i32_0 : i32, i32, i32
  }
  func.func @transform_1(%arg0: i32) -> (i32, i32, i32) {
    %c0_i32 = arith.constant 0 : i32
    %c0_i32_0 = arith.constant 0 : i32
    %c0_i32_1 = arith.constant 0 : i32
    return %arg0, %c0_i32, %c0_i32_0 : i32, i32, i32
  }
  func.func @transform_2(%arg0: i32) -> (i32, i32, i32) {
    %c0_i32 = arith.constant 0 : i32
    %c0_i32_0 = arith.constant 0 : i32
    %c0_i32_1 = arith.constant 0 : i32
    return %arg0, %c0_i32, %c0_i32_0 : i32, i32, i32
  }
  func.func @transform_3(%arg0: i32) -> (i32, i32, i32) {
    %c0_i32 = arith.constant 0 : i32
    %c0_i32_0 = arith.constant 0 : i32
    %c0_i32_1 = arith.constant 0 : i32
    return %arg0, %c0_i32, %c0_i32_0 : i32, i32, i32
  }
  func.func @transform_4(%arg0: i32) -> (i32, i32, i32) {
    %c0_i32 = arith.constant 0 : i32
    %c0_i32_0 = arith.constant 0 : i32
    %c0_i32_1 = arith.constant 0 : i32
    return %arg0, %c0_i32, %c0_i32_0 : i32, i32, i32
  }
  func.func @transform_5(%arg0: i32) -> (i32, i32, i32) {
    %c0_i32 = arith.constant 0 : i32
    %c0_i32_0 = arith.constant 0 : i32
    %c0_i32_1 = arith.constant 0 : i32
    return %arg0, %c0_i32, %c0_i32_0 : i32, i32, i32
  }
  func.func @transform_6(%arg0: i32) -> (i32, i32) {
    %c0_i32 = arith.constant 0 : i32
    %c0_i32_0 = arith.constant 0 : i32
    %c0_i32_1 = arith.constant 0 : i32
    return %c0_i32, %c0_i32_0 : i32, i32
  }
  func.func @transform_7(%arg0: i32) -> (i32, i32) {
    %c0_i32 = arith.constant 0 : i32
    %c0_i32_0 = arith.constant 0 : i32
    %c0_i32_1 = arith.constant 0 : i32
    return %c0_i32, %c0_i32_0 : i32, i32
  }
  func.func @transform_8(%arg0: i32) -> (i32, i32) {
    %c0_i32 = arith.constant 0 : i32
    %c0_i32_0 = arith.constant 0 : i32
    %c0_i32_1 = arith.constant 0 : i32
    return %c0_i32, %c0_i32_0 : i32, i32
  }
  func.func @transform_9(%arg0: i32) -> (i32, i32) {
    %c0_i32 = arith.constant 0 : i32
    %c0_i32_0 = arith.constant 0 : i32
    %c0_i32_1 = arith.constant 0 : i32
    return %c0_i32, %c0_i32_0 : i32, i32
  }
  func.func @transform_10(%arg0: i32) -> (i32, i32) {
    %c0_i32 = arith.constant 0 : i32
    %c0_i32_0 = arith.constant 0 : i32
    %c0_i32_1 = arith.constant 0 : i32
    return %c0_i32, %c0_i32_0 : i32, i32
  }
  func.func @transform_11(%arg0: i32) -> (i32, i32) {
    %c0_i32 = arith.constant 0 : i32
    %c0_i32_0 = arith.constant 0 : i32
    %c0_i32_1 = arith.constant 0 : i32
    return %c0_i32, %c0_i32_0 : i32, i32
  }
  func.func @transform_12(%arg0: i32) -> (i32, i32) {
    %c0_i32 = arith.constant 0 : i32
    %c0_i32_0 = arith.constant 0 : i32
    %c0_i32_1 = arith.constant 0 : i32
    return %c0_i32, %c0_i32_0 : i32, i32
  }
  func.func @transform_13(%arg0: i32) -> (i32, i32) {
    %c0_i32 = arith.constant 0 : i32
    %c0_i32_0 = arith.constant 0 : i32
    %c0_i32_1 = arith.constant 0 : i32
    return %c0_i32, %c0_i32_0 : i32, i32
  }
  func.func @transform_14(%arg0: i32) -> (i32, i32, i32) {
    %c0_i32 = arith.constant 0 : i32
    %c0_i32_0 = arith.constant 0 : i32
    %c0_i32_1 = arith.constant 0 : i32
    return %arg0, %c0_i32, %c0_i32_0 : i32, i32, i32
  }
}

module attributes {stable_mosaic.version = 14 : i64} {
  func.func @_expert_kernel(%arg0: i32, %arg1: memref<1x16x128xf32, #tpu.memory_space<vmem>>, %arg2: memref<1x512x256xf32, #tpu.memory_space<vmem>>, %arg3: memref<1x256x512xf32, #tpu.memory_space<vmem>>, %arg4: memref<1x176x768xf32, #tpu.memory_space<vmem>>, %arg5: memref<1x8x8xf32, #tpu.memory_space<vmem>>, %arg6: memref<128x192xf32, #tpu.memory_space<vmem>>, %arg7: memref<1x192xf32, #tpu.memory_space<vmem>>, %arg8: memref<128x192xf32, #tpu.memory_space<vmem>>, %arg9: memref<1x192xf32, #tpu.memory_space<vmem>>, %arg10: memref<128x192xf32, #tpu.memory_space<vmem>>, %arg11: memref<1x192xf32, #tpu.memory_space<vmem>>, %arg12: memref<768x192xf32, #tpu.memory_space<vmem>>, %arg13: memref<1x192xf32, #tpu.memory_space<vmem>>, %arg14: memref<768x192xf32, #tpu.memory_space<vmem>>, %arg15: memref<1x192xf32, #tpu.memory_space<vmem>>, %arg16: memref<768x192xf32, #tpu.memory_space<vmem>>, %arg17: memref<1x192xf32, #tpu.memory_space<vmem>>, %arg18: memref<64x384xf32, #tpu.memory_space<vmem>>, %arg19: memref<1x384xf32, #tpu.memory_space<vmem>>, %arg20: memref<1536x128xf32, #tpu.memory_space<vmem>>, %arg21: memref<1x384xf32, #tpu.memory_space<vmem>>, %arg22: memref<1x8x128xf32, #tpu.memory_space<vmem>>) attributes {dimension_semantics = [#tpu.dimension_semantics<arbitrary>], iteration_bounds = array<i64: 64>, scalar_prefetch = 0 : i64, scratch_operands = 0 : i64, tpu.core_type = #tpu.core_type<tc>, window_params = [{transform_indices = @transform_0, window_bounds = array<i64: 1, 16, 128>}, {transform_indices = @transform_1, window_bounds = array<i64: 1, 512, 256>}, {transform_indices = @transform_2, window_bounds = array<i64: 1, 256, 512>}, {transform_indices = @transform_3, window_bounds = array<i64: 1, 176, 768>}, {transform_indices = @transform_4, window_bounds = array<i64: 1, 8, 8>}, {pipeline_mode = #tpu.pipeline_mode<synchronous>, transform_indices = @transform_5, window_bounds = array<i64: 128, 192>}, {pipeline_mode = #tpu.pipeline_mode<synchronous>, transform_indices = @transform_6, window_bounds = array<i64: 1, 192>}, {pipeline_mode = #tpu.pipeline_mode<synchronous>, transform_indices = @transform_7, window_bounds = array<i64: 128, 192>}, {pipeline_mode = #tpu.pipeline_mode<synchronous>, transform_indices = @transform_8, window_bounds = array<i64: 1, 192>}, {pipeline_mode = #tpu.pipeline_mode<synchronous>, transform_indices = @transform_9, window_bounds = array<i64: 128, 192>}, {pipeline_mode = #tpu.pipeline_mode<synchronous>, transform_indices = @transform_10, window_bounds = array<i64: 1, 192>}, {pipeline_mode = #tpu.pipeline_mode<synchronous>, transform_indices = @transform_11, window_bounds = array<i64: 768, 192>}, {pipeline_mode = #tpu.pipeline_mode<synchronous>, transform_indices = @transform_12, window_bounds = array<i64: 1, 192>}, {pipeline_mode = #tpu.pipeline_mode<synchronous>, transform_indices = @transform_13, window_bounds = array<i64: 768, 192>}, {pipeline_mode = #tpu.pipeline_mode<synchronous>, transform_indices = @transform_14, window_bounds = array<i64: 1, 192>}, {pipeline_mode = #tpu.pipeline_mode<synchronous>, transform_indices = @transform_15, window_bounds = array<i64: 768, 192>}, {pipeline_mode = #tpu.pipeline_mode<synchronous>, transform_indices = @transform_16, window_bounds = array<i64: 1, 192>}, {pipeline_mode = #tpu.pipeline_mode<synchronous>, transform_indices = @transform_17, window_bounds = array<i64: 64, 384>}, {pipeline_mode = #tpu.pipeline_mode<synchronous>, transform_indices = @transform_18, window_bounds = array<i64: 1, 384>}, {pipeline_mode = #tpu.pipeline_mode<synchronous>, transform_indices = @transform_19, window_bounds = array<i64: 1536, 128>}, {pipeline_mode = #tpu.pipeline_mode<synchronous>, transform_indices = @transform_20, window_bounds = array<i64: 1, 384>}, {transform_indices = @transform_21, window_bounds = array<i64: 1, 8, 128>}]} {
    %get3A = arith.constant 0 : index
    %get3A_0 = arith.constant 0 : index
    %get3A_1 = arith.constant 0 : index
    %get3A_2 = vector.load %arg1[%get3A, %get3A_0, %get3A_1] : memref<1x16x128xf32, #tpu.memory_space<vmem>>, vector<1x16x128xf32>
    %get3A_3 = vector.shape_cast %get3A_2 : vector<1x16x128xf32> to vector<16x128xf32>
    %broadcast_in_dim3A = arith.constant 0.000000e+00 : f32
    %broadcast_in_dim3A_4 = vector.broadcast %broadcast_in_dim3A : f32 to vector<8x128xf32>
    %get3A_5 = arith.constant 0 : index
    %get3A_6 = arith.constant 0 : index
    %get3A_7 = arith.constant 0 : index
    %get3A_8 = vector.load %arg2[%get3A_5, %get3A_6, %get3A_7] : memref<1x512x256xf32, #tpu.memory_space<vmem>>, vector<1x512x256xf32>
    %get3A_9 = vector.shape_cast %get3A_8 : vector<1x512x256xf32> to vector<512x256xf32>
    %get3A_10 = arith.constant 0 : index
    %get3A_11 = arith.constant 0 : index
    %get3A_12 = vector.load %arg14[%get3A_10, %get3A_11] : memref<768x192xf32, #tpu.memory_space<vmem>>, vector<256x64xf32>
    %dot_general3A = arith.constant dense<0.000000e+00> : vector<512x64xf32>
    %dot_general3A_13 = tpu.matmul %get3A_9, %get3A_12, %dot_general3A {dimension_numbers = #tpu.dot_dimension_numbers<[1], [0], [0], [1], [0, 0, 1, 1], [], []>, transpose_lhs_hint = false} : vector<512x256xf32>, vector<256x64xf32>, vector<512x64xf32> -> vector<512x64xf32>
    %get3A_14 = arith.constant 0 : index
    %get3A_15 = arith.constant 0 : index
    %get3A_16 = vector.load %arg15[%get3A_14, %get3A_15] : memref<1x192xf32, #tpu.memory_space<vmem>>, vector<1x64xf32>
    %add3A = vector.broadcast %get3A_16 : vector<1x64xf32> to vector<512x64xf32>
    %add3A_17 = arith.addf %dot_general3A_13, %add3A : vector<512x64xf32>
    %get3A_18 = arith.constant 0 : index
    %get3A_19 = arith.constant 0 : index
    %get3A_20 = vector.load %arg16[%get3A_18, %get3A_19] : memref<768x192xf32, #tpu.memory_space<vmem>>, vector<256x64xf32>
    %dot_general3A_21 = arith.constant dense<0.000000e+00> : vector<512x64xf32>
    %dot_general3A_22 = tpu.matmul %get3A_9, %get3A_20, %dot_general3A_21 {dimension_numbers = #tpu.dot_dimension_numbers<[1], [0], [0], [1], [0, 0, 1, 1], [], []>, transpose_lhs_hint = false} : vector<512x256xf32>, vector<256x64xf32>, vector<512x64xf32> -> vector<512x64xf32>
    %get3A_23 = arith.constant 0 : index
    %get3A_24 = arith.constant 0 : index
    %get3A_25 = vector.load %arg17[%get3A_23, %get3A_24] : memref<1x192xf32, #tpu.memory_space<vmem>>, vector<1x64xf32>
    %add3A_26 = vector.broadcast %get3A_25 : vector<1x64xf32> to vector<512x64xf32>
    %add3A_27 = arith.addf %dot_general3A_22, %add3A_26 : vector<512x64xf32>
    %slice3A = vector.extract_strided_slice %get3A_9 {offsets = [0, 0], sizes = [8, 256], strides = [1, 1]} : vector<512x256xf32> to vector<8x256xf32>
    %get3A_28 = arith.constant 0 : index
    %get3A_29 = arith.constant 0 : index
    %get3A_30 = vector.load %arg12[%get3A_28, %get3A_29] : memref<768x192xf32, #tpu.memory_space<vmem>>, vector<256x64xf32>
    %dot_general3A_31 = arith.constant dense<0.000000e+00> : vector<8x64xf32>
    %dot_general3A_32 = tpu.matmul %slice3A, %get3A_30, %dot_general3A_31 {dimension_numbers = #tpu.dot_dimension_numbers<[1], [0], [0], [1], [0, 0, 1, 1], [], []>, transpose_lhs_hint = false} : vector<8x256xf32>, vector<256x64xf32>, vector<8x64xf32> -> vector<8x64xf32>
    %get3A_33 = arith.constant 0 : index
    %get3A_34 = arith.constant 0 : index
    %get3A_35 = vector.load %arg13[%get3A_33, %get3A_34] : memref<1x192xf32, #tpu.memory_space<vmem>>, vector<1x64xf32>
    %add3A_36 = vector.broadcast %get3A_35 : vector<1x64xf32> to vector<8x64xf32>
    %add3A_37 = arith.addf %dot_general3A_32, %add3A_36 : vector<8x64xf32>
    %dot_general3A_38 = arith.constant dense<0.000000e+00> : vector<8x512xf32>
    %dot_general3A_39 = tpu.matmul %add3A_37, %add3A_17, %dot_general3A_38 {dimension_numbers = #tpu.dot_dimension_numbers<[1], [1], [0], [0], [0, 0, 1, 0], [], []>, transpose_lhs_hint = false} : vector<8x64xf32>, vector<512x64xf32>, vector<8x512xf32> -> vector<8x512xf32>
    %logistic3A = arith.negf %dot_general3A_39 : vector<8x512xf32>
    %logistic3A_40 = math.exp %logistic3A : vector<8x512xf32>
    %logistic3A_41 = arith.constant 1.000000e+00 : f32
    %logistic3A_42 = vector.broadcast %logistic3A_41 : f32 to vector<8x512xf32>
    %logistic3A_43 = arith.addf %logistic3A_42, %logistic3A_40 : vector<8x512xf32>
    %logistic3A_44 = arith.divf %logistic3A_42, %logistic3A_43 : vector<8x512xf32>
    %mul3A = arith.constant 1.250000e-01 : f32
    %mul3A_45 = vector.broadcast %mul3A : f32 to vector<8x512xf32>
    %mul3A_46 = arith.mulf %logistic3A_44, %mul3A_45 : vector<8x512xf32>
    %iota3A = tpu.iota {dimensions = array<i32: 1>} : vector<8x512xi32>
    %lt3A = arith.constant 512 : i32
    %lt3A_47 = vector.broadcast %lt3A : i32 to vector<8x512xi32>
    %lt3A_48 = arith.cmpi slt, %iota3A, %lt3A_47 : vector<8x512xi32>
    %jit3A = arith.constant 0xFF800000 : f32
    %broadcast_in_dim3A_49 = vector.broadcast %jit3A : f32 to vector<8x512xf32>
    %select_n3A = arith.select %lt3A_48, %mul3A_46, %broadcast_in_dim3A_49 : vector<8x512xi1>, vector<8x512xf32>
    %reduce_max3A = arith.constant dense<0xFF800000> : vector<8xf32>
    %reduce_max3A_50 = vector.multi_reduction <maximumf>, %select_n3A, %reduce_max3A [1] : vector<8x512xf32> to vector<8xf32>
    %max3A = arith.constant 0xFF800000 : f32
    %max3A_51 = vector.broadcast %max3A : f32 to vector<8xf32>
    %max3A_52 = arith.maximumf %max3A_51, %reduce_max3A_50 : vector<8xf32>
    %broadcast_in_dim3A_53 = vector.shape_cast %max3A_52 : vector<8xf32> to vector<8x1xf32>
    %sub3A = vector.broadcast %broadcast_in_dim3A_53 : vector<8x1xf32> to vector<8x512xf32>
    %sub3A_54 = arith.subf %select_n3A, %sub3A : vector<8x512xf32>
    %exp3A = math.exp %sub3A_54 : vector<8x512xf32>
    %reduce_sum3A = arith.constant dense<0.000000e+00> : vector<8xf32>
    %reduce_sum3A_55 = vector.multi_reduction <add>, %exp3A, %reduce_sum3A [1] : vector<8x512xf32> to vector<8xf32>
    %broadcast_in_dim3A_56 = vector.shape_cast %reduce_sum3A_55 : vector<8xf32> to vector<8x1xf32>
    %div3A = vector.broadcast %broadcast_in_dim3A_56 : vector<8x1xf32> to vector<8x512xf32>
    %div3A_57 = arith.divf %exp3A, %div3A : vector<8x512xf32>
    %dot_general3A_58 = arith.constant dense<0.000000e+00> : vector<8x64xf32>
    %dot_general3A_59 = tpu.matmul %div3A_57, %add3A_27, %dot_general3A_58 {dimension_numbers = #tpu.dot_dimension_numbers<[1], [0], [0], [1], [0, 0, 1, 1], [], []>, transpose_lhs_hint = false} : vector<8x512xf32>, vector<512x64xf32>, vector<8x64xf32> -> vector<8x64xf32>
    %iota3A_60 = tpu.iota {dimensions = array<i32: 0>} : vector<8x16xi32>
    %iota3A_61 = tpu.iota {dimensions = array<i32: 1>} : vector<8x16xi32>
    %jit3A_62 = arith.constant 2 : i32
    %div3A_63 = vector.broadcast %jit3A_62 : i32 to vector<8x16xi32>
    %div3A_64 = arith.divsi %iota3A_61, %div3A_63 : vector<8x16xi32>
    %sign3A = arith.constant 0 : i32
    %sign3A_65 = vector.broadcast %sign3A : i32 to vector<8x16xi32>
    %sign3A_66 = arith.cmpi sgt, %iota3A_61, %sign3A_65 : vector<8x16xi32>
    %sign3A_67 = arith.extui %sign3A_66 : vector<8x16xi1> to vector<8x16xi32>
    %sign3A_68 = arith.constant 0 : i32
    %sign3A_69 = vector.broadcast %sign3A_68 : i32 to vector<8x16xi32>
    %sign3A_70 = arith.cmpi slt, %iota3A_61, %sign3A_69 : vector<8x16xi32>
    %sign3A_71 = arith.extui %sign3A_70 : vector<8x16xi1> to vector<8x16xi32>
    %sign3A_72 = arith.subi %sign3A_67, %sign3A_71 : vector<8x16xi32>
    %sign3A_73 = arith.constant 0 : i32
    %sign3A_74 = arith.cmpi sgt, %jit3A_62, %sign3A_73 : i32
    %sign3A_75 = arith.extui %sign3A_74 : i1 to i32
    %sign3A_76 = arith.constant 0 : i32
    %sign3A_77 = arith.cmpi slt, %jit3A_62, %sign3A_76 : i32
    %sign3A_78 = arith.extui %sign3A_77 : i1 to i32
    %sign3A_79 = arith.subi %sign3A_75, %sign3A_78 : i32
    %ne3A = vector.broadcast %sign3A_79 : i32 to vector<8x16xi32>
    %ne3A_80 = arith.cmpi ne, %sign3A_72, %ne3A : vector<8x16xi32>
    %rem3A = vector.broadcast %jit3A_62 : i32 to vector<8x16xi32>
    %rem3A_81 = arith.remsi %iota3A_61, %rem3A : vector<8x16xi32>
    %ne3A_82 = arith.constant 0 : i32
    %ne3A_83 = vector.broadcast %ne3A_82 : i32 to vector<8x16xi32>
    %ne3A_84 = arith.cmpi ne, %rem3A_81, %ne3A_83 : vector<8x16xi32>
    %and3A = arith.andi %ne3A_80, %ne3A_84 : vector<8x16xi1>
    %sub3A_85 = arith.constant 1 : i32
    %sub3A_86 = vector.broadcast %sub3A_85 : i32 to vector<8x16xi32>
    %sub3A_87 = arith.subi %div3A_64, %sub3A_86 : vector<8x16xi32>
    %select_n3A_88 = arith.select %and3A, %sub3A_87, %div3A_64 : vector<8x16xi1>, vector<8x16xi32>
    %eq3A = arith.cmpi eq, %select_n3A_88, %iota3A_60 : vector<8x16xi32>
    %jit3A_89 = arith.constant 5.000000e-01 : f32
    %jit3A_90 = arith.constant 0.000000e+00 : f32
    %broadcast_in_dim3A_91 = vector.broadcast %jit3A_89 : f32 to vector<8x16xf32>
    %broadcast_in_dim3A_92 = vector.broadcast %jit3A_90 : f32 to vector<8x16xf32>
    %select_n3A_93 = arith.select %eq3A, %broadcast_in_dim3A_91, %broadcast_in_dim3A_92 : vector<8x16xi1>, vector<8x16xf32>
    %dot_general3A_94 = arith.constant dense<0.000000e+00> : vector<8x128xf32>
    %dot_general3A_95 = tpu.matmul %select_n3A_93, %get3A_3, %dot_general3A_94 {dimension_numbers = #tpu.dot_dimension_numbers<[1], [0], [0], [1], [0, 0, 1, 1], [], []>, transpose_lhs_hint = false} : vector<8x16xf32>, vector<16x128xf32>, vector<8x128xf32> -> vector<8x128xf32>
    %get3A_96 = arith.constant 0 : index
    %get3A_97 = arith.constant 0 : index
    %get3A_98 = vector.load %arg6[%get3A_96, %get3A_97] : memref<128x192xf32, #tpu.memory_space<vmem>>, vector<128x64xf32>
    %dot_general3A_99 = arith.constant dense<0.000000e+00> : vector<8x64xf32>
    %dot_general3A_100 = tpu.matmul %dot_general3A_95, %get3A_98, %dot_general3A_99 {dimension_numbers = #tpu.dot_dimension_numbers<[1], [0], [0], [1], [0, 0, 1, 1], [], []>, transpose_lhs_hint = false} : vector<8x128xf32>, vector<128x64xf32>, vector<8x64xf32> -> vector<8x64xf32>
    %get3A_101 = arith.constant 0 : index
    %get3A_102 = arith.constant 0 : index
    %get3A_103 = vector.load %arg7[%get3A_101, %get3A_102] : memref<1x192xf32, #tpu.memory_space<vmem>>, vector<1x64xf32>
    %add3A_104 = vector.broadcast %get3A_103 : vector<1x64xf32> to vector<8x64xf32>
    %add3A_105 = arith.addf %dot_general3A_100, %add3A_104 : vector<8x64xf32>
    %get3A_106 = arith.constant 0 : index
    %get3A_107 = arith.constant 0 : index
    %get3A_108 = vector.load %arg8[%get3A_106, %get3A_107] : memref<128x192xf32, #tpu.memory_space<vmem>>, vector<128x64xf32>
    %dot_general3A_109 = arith.constant dense<0.000000e+00> : vector<16x64xf32>
    %dot_general3A_110 = tpu.matmul %get3A_3, %get3A_108, %dot_general3A_109 {dimension_numbers = #tpu.dot_dimension_numbers<[1], [0], [0], [1], [0, 0, 1, 1], [], []>, transpose_lhs_hint = false} : vector<16x128xf32>, vector<128x64xf32>, vector<16x64xf32> -> vector<16x64xf32>
    %get3A_111 = arith.constant 0 : index
    %get3A_112 = arith.constant 0 : index
    %get3A_113 = vector.load %arg9[%get3A_111, %get3A_112] : memref<1x192xf32, #tpu.memory_space<vmem>>, vector<1x64xf32>
    %add3A_114 = vector.broadcast %get3A_113 : vector<1x64xf32> to vector<16x64xf32>
    %add3A_115 = arith.addf %dot_general3A_110, %add3A_114 : vector<16x64xf32>
    %get3A_116 = arith.constant 0 : index
    %get3A_117 = arith.constant 0 : index
    %get3A_118 = vector.load %arg10[%get3A_116, %get3A_117] : memref<128x192xf32, #tpu.memory_space<vmem>>, vector<128x64xf32>
    %dot_general3A_119 = arith.constant dense<0.000000e+00> : vector<16x64xf32>
    %dot_general3A_120 = tpu.matmul %get3A_3, %get3A_118, %dot_general3A_119 {dimension_numbers = #tpu.dot_dimension_numbers<[1], [0], [0], [1], [0, 0, 1, 1], [], []>, transpose_lhs_hint = false} : vector<16x128xf32>, vector<128x64xf32>, vector<16x64xf32> -> vector<16x64xf32>
    %get3A_121 = arith.constant 0 : index
    %get3A_122 = arith.constant 0 : index
    %get3A_123 = vector.load %arg11[%get3A_121, %get3A_122] : memref<1x192xf32, #tpu.memory_space<vmem>>, vector<1x64xf32>
    %add3A_124 = vector.broadcast %get3A_123 : vector<1x64xf32> to vector<16x64xf32>
    %add3A_125 = arith.addf %dot_general3A_120, %add3A_124 : vector<16x64xf32>
    %dot_general3A_126 = arith.constant dense<0.000000e+00> : vector<8x16xf32>
    %dot_general3A_127 = tpu.matmul %add3A_105, %add3A_115, %dot_general3A_126 {dimension_numbers = #tpu.dot_dimension_numbers<[1], [1], [0], [0], [0, 0, 1, 0], [], []>, transpose_lhs_hint = false} : vector<8x64xf32>, vector<16x64xf32>, vector<8x16xf32> -> vector<8x16xf32>
    %mul3A_128 = arith.constant 1.250000e-01 : f32
    %mul3A_129 = vector.broadcast %mul3A_128 : f32 to vector<8x16xf32>
    %mul3A_130 = arith.mulf %dot_general3A_127, %mul3A_129 : vector<8x16xf32>
    %jit3A_131 = arith.constant 2 : i32
    %div3A_132 = vector.broadcast %jit3A_131 : i32 to vector<8x16xi32>
    %div3A_133 = arith.divsi %iota3A_61, %div3A_132 : vector<8x16xi32>
    %sign3A_134 = arith.constant 0 : i32
    %sign3A_135 = vector.broadcast %sign3A_134 : i32 to vector<8x16xi32>
    %sign3A_136 = arith.cmpi sgt, %iota3A_61, %sign3A_135 : vector<8x16xi32>
    %sign3A_137 = arith.extui %sign3A_136 : vector<8x16xi1> to vector<8x16xi32>
    %sign3A_138 = arith.constant 0 : i32
    %sign3A_139 = vector.broadcast %sign3A_138 : i32 to vector<8x16xi32>
    %sign3A_140 = arith.cmpi slt, %iota3A_61, %sign3A_139 : vector<8x16xi32>
    %sign3A_141 = arith.extui %sign3A_140 : vector<8x16xi1> to vector<8x16xi32>
    %sign3A_142 = arith.subi %sign3A_137, %sign3A_141 : vector<8x16xi32>
    %sign3A_143 = arith.constant 0 : i32
    %sign3A_144 = arith.cmpi sgt, %jit3A_131, %sign3A_143 : i32
    %sign3A_145 = arith.extui %sign3A_144 : i1 to i32
    %sign3A_146 = arith.constant 0 : i32
    %sign3A_147 = arith.cmpi slt, %jit3A_131, %sign3A_146 : i32
    %sign3A_148 = arith.extui %sign3A_147 : i1 to i32
    %sign3A_149 = arith.subi %sign3A_145, %sign3A_148 : i32
    %ne3A_150 = vector.broadcast %sign3A_149 : i32 to vector<8x16xi32>
    %ne3A_151 = arith.cmpi ne, %sign3A_142, %ne3A_150 : vector<8x16xi32>
    %rem3A_152 = vector.broadcast %jit3A_131 : i32 to vector<8x16xi32>
    %rem3A_153 = arith.remsi %iota3A_61, %rem3A_152 : vector<8x16xi32>
    %ne3A_154 = arith.constant 0 : i32
    %ne3A_155 = vector.broadcast %ne3A_154 : i32 to vector<8x16xi32>
    %ne3A_156 = arith.cmpi ne, %rem3A_153, %ne3A_155 : vector<8x16xi32>
    %and3A_157 = arith.andi %ne3A_151, %ne3A_156 : vector<8x16xi1>
    %sub3A_158 = arith.constant 1 : i32
    %sub3A_159 = vector.broadcast %sub3A_158 : i32 to vector<8x16xi32>
    %sub3A_160 = arith.subi %div3A_133, %sub3A_159 : vector<8x16xi32>
    %select_n3A_161 = arith.select %and3A_157, %sub3A_160, %div3A_133 : vector<8x16xi1>, vector<8x16xi32>
    %eq3A_162 = arith.cmpi eq, %select_n3A_161, %iota3A_60 : vector<8x16xi32>
    %jit3A_163 = arith.constant -1.000000e+30 : f32
    %broadcast_in_dim3A_164 = vector.broadcast %jit3A_163 : f32 to vector<8x16xf32>
    %select_n3A_165 = arith.select %eq3A_162, %mul3A_130, %broadcast_in_dim3A_164 : vector<8x16xi1>, vector<8x16xf32>
    %reduce_max3A_166 = arith.constant dense<0xFF800000> : vector<8xf32>
    %reduce_max3A_167 = vector.multi_reduction <maximumf>, %select_n3A_165, %reduce_max3A_166 [1] : vector<8x16xf32> to vector<8xf32>
    %max3A_168 = arith.constant 0xFF800000 : f32
    %max3A_169 = vector.broadcast %max3A_168 : f32 to vector<8xf32>
    %max3A_170 = arith.maximumf %max3A_169, %reduce_max3A_167 : vector<8xf32>
    %broadcast_in_dim3A_171 = vector.shape_cast %max3A_170 : vector<8xf32> to vector<8x1xf32>
    %sub3A_172 = vector.broadcast %broadcast_in_dim3A_171 : vector<8x1xf32> to vector<8x16xf32>
    %sub3A_173 = arith.subf %select_n3A_165, %sub3A_172 : vector<8x16xf32>
    %exp3A_174 = math.exp %sub3A_173 : vector<8x16xf32>
    %reduce_sum3A_175 = arith.constant dense<0.000000e+00> : vector<8xf32>
    %reduce_sum3A_176 = vector.multi_reduction <add>, %exp3A_174, %reduce_sum3A_175 [1] : vector<8x16xf32> to vector<8xf32>
    %broadcast_in_dim3A_177 = vector.shape_cast %reduce_sum3A_176 : vector<8xf32> to vector<8x1xf32>
    %div3A_178 = vector.broadcast %broadcast_in_dim3A_177 : vector<8x1xf32> to vector<8x16xf32>
    %div3A_179 = arith.divf %exp3A_174, %div3A_178 : vector<8x16xf32>
    %dot_general3A_180 = arith.constant dense<0.000000e+00> : vector<8x64xf32>
    %dot_general3A_181 = tpu.matmul %div3A_179, %add3A_125, %dot_general3A_180 {dimension_numbers = #tpu.dot_dimension_numbers<[1], [0], [0], [1], [0, 0, 1, 1], [], []>, transpose_lhs_hint = false} : vector<8x16xf32>, vector<16x64xf32>, vector<8x64xf32> -> vector<8x64xf32>
    %add3A_182 = arith.addf %dot_general3A_181, %dot_general3A_59 : vector<8x64xf32>
    %get3A_183 = arith.constant 0 : index
    %get3A_184 = arith.constant 0 : index
    %get3A_185 = vector.load %arg18[%get3A_183, %get3A_184] : memref<64x384xf32, #tpu.memory_space<vmem>>, vector<64x128xf32>
    %dot_general3A_186 = arith.constant dense<0.000000e+00> : vector<8x128xf32>
    %dot_general3A_187 = tpu.matmul %add3A_182, %get3A_185, %dot_general3A_186 {dimension_numbers = #tpu.dot_dimension_numbers<[1], [0], [0], [1], [0, 0, 1, 1], [], []>, transpose_lhs_hint = false} : vector<8x64xf32>, vector<64x128xf32>, vector<8x128xf32> -> vector<8x128xf32>
    %get3A_188 = arith.constant 0 : index
    %get3A_189 = arith.constant 0 : index
    %get3A_190 = vector.load %arg19[%get3A_188, %get3A_189] : memref<1x384xf32, #tpu.memory_space<vmem>>, vector<1x128xf32>
    %add3A_191 = vector.broadcast %get3A_190 : vector<1x128xf32> to vector<8x128xf32>
    %add3A_192 = arith.addf %dot_general3A_187, %add3A_191 : vector<8x128xf32>
    %iota3A_193 = tpu.iota {dimensions = array<i32: 0>} : vector<8x8xi32>
    %iota3A_194 = tpu.iota {dimensions = array<i32: 1>} : vector<8x8xi32>
    %jit3A_195 = arith.constant 2 : i32
    %div3A_196 = vector.broadcast %jit3A_195 : i32 to vector<8x8xi32>
    %div3A_197 = arith.divsi %iota3A_193, %div3A_196 : vector<8x8xi32>
    %sign3A_198 = arith.constant 0 : i32
    %sign3A_199 = vector.broadcast %sign3A_198 : i32 to vector<8x8xi32>
    %sign3A_200 = arith.cmpi sgt, %iota3A_193, %sign3A_199 : vector<8x8xi32>
    %sign3A_201 = arith.extui %sign3A_200 : vector<8x8xi1> to vector<8x8xi32>
    %sign3A_202 = arith.constant 0 : i32
    %sign3A_203 = vector.broadcast %sign3A_202 : i32 to vector<8x8xi32>
    %sign3A_204 = arith.cmpi slt, %iota3A_193, %sign3A_203 : vector<8x8xi32>
    %sign3A_205 = arith.extui %sign3A_204 : vector<8x8xi1> to vector<8x8xi32>
    %sign3A_206 = arith.subi %sign3A_201, %sign3A_205 : vector<8x8xi32>
    %sign3A_207 = arith.constant 0 : i32
    %sign3A_208 = arith.cmpi sgt, %jit3A_195, %sign3A_207 : i32
    %sign3A_209 = arith.extui %sign3A_208 : i1 to i32
    %sign3A_210 = arith.constant 0 : i32
    %sign3A_211 = arith.cmpi slt, %jit3A_195, %sign3A_210 : i32
    %sign3A_212 = arith.extui %sign3A_211 : i1 to i32
    %sign3A_213 = arith.subi %sign3A_209, %sign3A_212 : i32
    %ne3A_214 = vector.broadcast %sign3A_213 : i32 to vector<8x8xi32>
    %ne3A_215 = arith.cmpi ne, %sign3A_206, %ne3A_214 : vector<8x8xi32>
    %rem3A_216 = vector.broadcast %jit3A_195 : i32 to vector<8x8xi32>
    %rem3A_217 = arith.remsi %iota3A_193, %rem3A_216 : vector<8x8xi32>
    %ne3A_218 = arith.constant 0 : i32
    %ne3A_219 = vector.broadcast %ne3A_218 : i32 to vector<8x8xi32>
    %ne3A_220 = arith.cmpi ne, %rem3A_217, %ne3A_219 : vector<8x8xi32>
    %and3A_221 = arith.andi %ne3A_215, %ne3A_220 : vector<8x8xi1>
    %sub3A_222 = arith.constant 1 : i32
    %sub3A_223 = vector.broadcast %sub3A_222 : i32 to vector<8x8xi32>
    %sub3A_224 = arith.subi %div3A_197, %sub3A_223 : vector<8x8xi32>
    %select_n3A_225 = arith.select %and3A_221, %sub3A_224, %div3A_197 : vector<8x8xi1>, vector<8x8xi32>
    %eq3A_226 = arith.cmpi eq, %iota3A_194, %select_n3A_225 : vector<8x8xi32>
    %lt3A_227 = arith.constant 4 : i32
    %lt3A_228 = vector.broadcast %lt3A_227 : i32 to vector<8x8xi32>
    %lt3A_229 = arith.cmpi slt, %iota3A_193, %lt3A_228 : vector<8x8xi32>
    %and3A_230 = arith.andi %eq3A_226, %lt3A_229 : vector<8x8xi1>
    %jit3A_231 = arith.constant 1.000000e+00 : f32
    %jit3A_232 = arith.constant 0.000000e+00 : f32
    %broadcast_in_dim3A_233 = vector.broadcast %jit3A_231 : f32 to vector<8x8xf32>
    %broadcast_in_dim3A_234 = vector.broadcast %jit3A_232 : f32 to vector<8x8xf32>
    %select_n3A_235 = arith.select %and3A_230, %broadcast_in_dim3A_233, %broadcast_in_dim3A_234 : vector<8x8xi1>, vector<8x8xf32>
    %dot_general3A_236 = arith.constant dense<0.000000e+00> : vector<8x128xf32>
    %dot_general3A_237 = tpu.matmul %select_n3A_235, %add3A_192, %dot_general3A_236 {dimension_numbers = #tpu.dot_dimension_numbers<[1], [0], [0], [1], [0, 0, 1, 1], [], []>, transpose_lhs_hint = false} : vector<8x8xf32>, vector<8x128xf32>, vector<8x128xf32> -> vector<8x128xf32>
    %concatenate3A = tpu.concatenate %dot_general3A_237, %dot_general3A_237, %dot_general3A_237, %dot_general3A_237 in 1 : vector<8x128xf32>, vector<8x128xf32>, vector<8x128xf32>, vector<8x128xf32> -> vector<8x512xf32>
    %iota3A_238 = tpu.iota {dimensions = array<i32: 1>} : vector<8x512xi32>
    %iota3A_239 = tpu.iota {dimensions = array<i32: 0>} : vector<8x512xi32>
    %jit3A_240 = arith.constant 128 : i32
    %div3A_241 = vector.broadcast %jit3A_240 : i32 to vector<8x512xi32>
    %div3A_242 = arith.divsi %iota3A_238, %div3A_241 : vector<8x512xi32>
    %sign3A_243 = arith.constant 0 : i32
    %sign3A_244 = vector.broadcast %sign3A_243 : i32 to vector<8x512xi32>
    %sign3A_245 = arith.cmpi sgt, %iota3A_238, %sign3A_244 : vector<8x512xi32>
    %sign3A_246 = arith.extui %sign3A_245 : vector<8x512xi1> to vector<8x512xi32>
    %sign3A_247 = arith.constant 0 : i32
    %sign3A_248 = vector.broadcast %sign3A_247 : i32 to vector<8x512xi32>
    %sign3A_249 = arith.cmpi slt, %iota3A_238, %sign3A_248 : vector<8x512xi32>
    %sign3A_250 = arith.extui %sign3A_249 : vector<8x512xi1> to vector<8x512xi32>
    %sign3A_251 = arith.subi %sign3A_246, %sign3A_250 : vector<8x512xi32>
    %sign3A_252 = arith.constant 0 : i32
    %sign3A_253 = arith.cmpi sgt, %jit3A_240, %sign3A_252 : i32
    %sign3A_254 = arith.extui %sign3A_253 : i1 to i32
    %sign3A_255 = arith.constant 0 : i32
    %sign3A_256 = arith.cmpi slt, %jit3A_240, %sign3A_255 : i32
    %sign3A_257 = arith.extui %sign3A_256 : i1 to i32
    %sign3A_258 = arith.subi %sign3A_254, %sign3A_257 : i32
    %ne3A_259 = vector.broadcast %sign3A_258 : i32 to vector<8x512xi32>
    %ne3A_260 = arith.cmpi ne, %sign3A_251, %ne3A_259 : vector<8x512xi32>
    %rem3A_261 = vector.broadcast %jit3A_240 : i32 to vector<8x512xi32>
    %rem3A_262 = arith.remsi %iota3A_238, %rem3A_261 : vector<8x512xi32>
    %ne3A_263 = arith.constant 0 : i32
    %ne3A_264 = vector.broadcast %ne3A_263 : i32 to vector<8x512xi32>
    %ne3A_265 = arith.cmpi ne, %rem3A_262, %ne3A_264 : vector<8x512xi32>
    %and3A_266 = arith.andi %ne3A_260, %ne3A_265 : vector<8x512xi1>
    %sub3A_267 = arith.constant 1 : i32
    %sub3A_268 = vector.broadcast %sub3A_267 : i32 to vector<8x512xi32>
    %sub3A_269 = arith.subi %div3A_242, %sub3A_268 : vector<8x512xi32>
    %select_n3A_270 = arith.select %and3A_266, %sub3A_269, %div3A_242 : vector<8x512xi1>, vector<8x512xi32>
    %eq3A_271 = arith.cmpi eq, %select_n3A_270, %iota3A_239 : vector<8x512xi32>
    %jit3A_272 = arith.constant 0.000000e+00 : f32
    %broadcast_in_dim3A_273 = vector.broadcast %jit3A_272 : f32 to vector<8x512xf32>
    %select_n3A_274 = arith.select %eq3A_271, %concatenate3A, %broadcast_in_dim3A_273 : vector<8x512xi1>, vector<8x512xf32>
    %get3A_275 = arith.constant 0 : index
    %get3A_276 = arith.constant 0 : index
    %get3A_277 = vector.load %arg20[%get3A_275, %get3A_276] : memref<1536x128xf32, #tpu.memory_space<vmem>>, vector<512x128xf32>
    %dot_general3A_278 = arith.constant dense<0.000000e+00> : vector<8x128xf32>
    %dot_general3A_279 = tpu.matmul %select_n3A_274, %get3A_277, %dot_general3A_278 {dimension_numbers = #tpu.dot_dimension_numbers<[1], [0], [0], [1], [0, 0, 1, 1], [], []>, transpose_lhs_hint = false} : vector<8x512xf32>, vector<512x128xf32>, vector<8x128xf32> -> vector<8x128xf32>
    %get3A_280 = arith.constant 0 : index
    %get3A_281 = arith.constant 0 : index
    %get3A_282 = arith.constant 0 : index
    %get3A_283 = vector.load %arg5[%get3A_280, %get3A_281, %get3A_282] : memref<1x8x8xf32, #tpu.memory_space<vmem>>, vector<1x8x8xf32>
    %get3A_284 = vector.shape_cast %get3A_283 : vector<1x8x8xf32> to vector<8x8xf32>
    %slice3A_285 = vector.extract_strided_slice %get3A_284 {offsets = [0, 0], sizes = [8, 1], strides = [1, 1]} : vector<8x8xf32> to vector<8x1xf32>
    %get3A_286 = arith.constant 0 : index
    %get3A_287 = arith.constant 0 : index
    %get3A_288 = vector.load %arg21[%get3A_286, %get3A_287] : memref<1x384xf32, #tpu.memory_space<vmem>>, vector<1x128xf32>
    %add3A_289 = vector.broadcast %get3A_288 : vector<1x128xf32> to vector<8x128xf32>
    %add3A_290 = arith.addf %dot_general3A_279, %add3A_289 : vector<8x128xf32>
    %mul3A_291 = vector.broadcast %slice3A_285 : vector<8x1xf32> to vector<8x128xf32>
    %mul3A_292 = arith.mulf %add3A_290, %mul3A_291 : vector<8x128xf32>
    %add3A_293 = arith.addf %broadcast_in_dim3A_4, %mul3A_292 : vector<8x128xf32>
    %get3A_294 = arith.constant 0 : index
    %get3A_295 = arith.constant 0 : index
    %get3A_296 = arith.constant 0 : index
    %get3A_297 = vector.load %arg3[%get3A_294, %get3A_295, %get3A_296] : memref<1x256x512xf32, #tpu.memory_space<vmem>>, vector<1x256x512xf32>
    %get3A_298 = vector.shape_cast %get3A_297 : vector<1x256x512xf32> to vector<256x512xf32>
    %get3A_299 = arith.constant 0 : index
    %get3A_300 = arith.constant 64 : index
    %get3A_301 = vector.load %arg14[%get3A_299, %get3A_300] : memref<768x192xf32, #tpu.memory_space<vmem>>, vector<512x64xf32>
    %dot_general3A_302 = arith.constant dense<0.000000e+00> : vector<256x64xf32>
    %dot_general3A_303 = tpu.matmul %get3A_298, %get3A_301, %dot_general3A_302 {dimension_numbers = #tpu.dot_dimension_numbers<[1], [0], [0], [1], [0, 0, 1, 1], [], []>, transpose_lhs_hint = false} : vector<256x512xf32>, vector<512x64xf32>, vector<256x64xf32> -> vector<256x64xf32>
    %get3A_304 = arith.constant 0 : index
    %get3A_305 = arith.constant 64 : index
    %get3A_306 = vector.load %arg15[%get3A_304, %get3A_305] : memref<1x192xf32, #tpu.memory_space<vmem>>, vector<1x64xf32>
    %add3A_307 = vector.broadcast %get3A_306 : vector<1x64xf32> to vector<256x64xf32>
    %add3A_308 = arith.addf %dot_general3A_303, %add3A_307 : vector<256x64xf32>
    %get3A_309 = arith.constant 0 : index
    %get3A_310 = arith.constant 64 : index
    %get3A_311 = vector.load %arg16[%get3A_309, %get3A_310] : memref<768x192xf32, #tpu.memory_space<vmem>>, vector<512x64xf32>
    %dot_general3A_312 = arith.constant dense<0.000000e+00> : vector<256x64xf32>
    %dot_general3A_313 = tpu.matmul %get3A_298, %get3A_311, %dot_general3A_312 {dimension_numbers = #tpu.dot_dimension_numbers<[1], [0], [0], [1], [0, 0, 1, 1], [], []>, transpose_lhs_hint = false} : vector<256x512xf32>, vector<512x64xf32>, vector<256x64xf32> -> vector<256x64xf32>
    %get3A_314 = arith.constant 0 : index
    %get3A_315 = arith.constant 64 : index
    %get3A_316 = vector.load %arg17[%get3A_314, %get3A_315] : memref<1x192xf32, #tpu.memory_space<vmem>>, vector<1x64xf32>
    %add3A_317 = vector.broadcast %get3A_316 : vector<1x64xf32> to vector<256x64xf32>
    %add3A_318 = arith.addf %dot_general3A_313, %add3A_317 : vector<256x64xf32>
    %slice3A_319 = vector.extract_strided_slice %get3A_298 {offsets = [0, 0], sizes = [8, 512], strides = [1, 1]} : vector<256x512xf32> to vector<8x512xf32>
    %get3A_320 = arith.constant 0 : index
    %get3A_321 = arith.constant 64 : index
    %get3A_322 = vector.load %arg12[%get3A_320, %get3A_321] : memref<768x192xf32, #tpu.memory_space<vmem>>, vector<512x64xf32>
    %dot_general3A_323 = arith.constant dense<0.000000e+00> : vector<8x64xf32>
    %dot_general3A_324 = tpu.matmul %slice3A_319, %get3A_322, %dot_general3A_323 {dimension_numbers = #tpu.dot_dimension_numbers<[1], [0], [0], [1], [0, 0, 1, 1], [], []>, transpose_lhs_hint = false} : vector<8x512xf32>, vector<512x64xf32>, vector<8x64xf32> -> vector<8x64xf32>
    %get3A_325 = arith.constant 0 : index
    %get3A_326 = arith.constant 64 : index
    %get3A_327 = vector.load %arg13[%get3A_325, %get3A_326] : memref<1x192xf32, #tpu.memory_space<vmem>>, vector<1x64xf32>
    %add3A_328 = vector.broadcast %get3A_327 : vector<1x64xf32> to vector<8x64xf32>
    %add3A_329 = arith.addf %dot_general3A_324, %add3A_328 : vector<8x64xf32>
    %dot_general3A_330 = arith.constant dense<0.000000e+00> : vector<8x256xf32>
    %dot_general3A_331 = tpu.matmul %add3A_329, %add3A_308, %dot_general3A_330 {dimension_numbers = #tpu.dot_dimension_numbers<[1], [1], [0], [0], [0, 0, 1, 0], [], []>, transpose_lhs_hint = false} : vector<8x64xf32>, vector<256x64xf32>, vector<8x256xf32> -> vector<8x256xf32>
    %logistic3A_332 = arith.negf %dot_general3A_331 : vector<8x256xf32>
    %logistic3A_333 = math.exp %logistic3A_332 : vector<8x256xf32>
    %logistic3A_334 = arith.constant 1.000000e+00 : f32
    %logistic3A_335 = vector.broadcast %logistic3A_334 : f32 to vector<8x256xf32>
    %logistic3A_336 = arith.addf %logistic3A_335, %logistic3A_333 : vector<8x256xf32>
    %logistic3A_337 = arith.divf %logistic3A_335, %logistic3A_336 : vector<8x256xf32>
    %mul3A_338 = arith.constant 1.250000e-01 : f32
    %mul3A_339 = vector.broadcast %mul3A_338 : f32 to vector<8x256xf32>
    %mul3A_340 = arith.mulf %logistic3A_337, %mul3A_339 : vector<8x256xf32>
    %iota3A_341 = tpu.iota {dimensions = array<i32: 1>} : vector<8x256xi32>
    %lt3A_342 = arith.constant 256 : i32
    %lt3A_343 = vector.broadcast %lt3A_342 : i32 to vector<8x256xi32>
    %lt3A_344 = arith.cmpi slt, %iota3A_341, %lt3A_343 : vector<8x256xi32>
    %jit3A_345 = arith.constant 0xFF800000 : f32
    %broadcast_in_dim3A_346 = vector.broadcast %jit3A_345 : f32 to vector<8x256xf32>
    %select_n3A_347 = arith.select %lt3A_344, %mul3A_340, %broadcast_in_dim3A_346 : vector<8x256xi1>, vector<8x256xf32>
    %reduce_max3A_348 = arith.constant dense<0xFF800000> : vector<8xf32>
    %reduce_max3A_349 = vector.multi_reduction <maximumf>, %select_n3A_347, %reduce_max3A_348 [1] : vector<8x256xf32> to vector<8xf32>
    %max3A_350 = arith.constant 0xFF800000 : f32
    %max3A_351 = vector.broadcast %max3A_350 : f32 to vector<8xf32>
    %max3A_352 = arith.maximumf %max3A_351, %reduce_max3A_349 : vector<8xf32>
    %broadcast_in_dim3A_353 = vector.shape_cast %max3A_352 : vector<8xf32> to vector<8x1xf32>
    %sub3A_354 = vector.broadcast %broadcast_in_dim3A_353 : vector<8x1xf32> to vector<8x256xf32>
    %sub3A_355 = arith.subf %select_n3A_347, %sub3A_354 : vector<8x256xf32>
    %exp3A_356 = math.exp %sub3A_355 : vector<8x256xf32>
    %reduce_sum3A_357 = arith.constant dense<0.000000e+00> : vector<8xf32>
    %reduce_sum3A_358 = vector.multi_reduction <add>, %exp3A_356, %reduce_sum3A_357 [1] : vector<8x256xf32> to vector<8xf32>
    %broadcast_in_dim3A_359 = vector.shape_cast %reduce_sum3A_358 : vector<8xf32> to vector<8x1xf32>
    %div3A_360 = vector.broadcast %broadcast_in_dim3A_359 : vector<8x1xf32> to vector<8x256xf32>
    %div3A_361 = arith.divf %exp3A_356, %div3A_360 : vector<8x256xf32>
    %dot_general3A_362 = arith.constant dense<0.000000e+00> : vector<8x64xf32>
    %dot_general3A_363 = tpu.matmul %div3A_361, %add3A_318, %dot_general3A_362 {dimension_numbers = #tpu.dot_dimension_numbers<[1], [0], [0], [1], [0, 0, 1, 1], [], []>, transpose_lhs_hint = false} : vector<8x256xf32>, vector<256x64xf32>, vector<8x64xf32> -> vector<8x64xf32>
    %iota3A_364 = tpu.iota {dimensions = array<i32: 0>} : vector<8x16xi32>
    %iota3A_365 = tpu.iota {dimensions = array<i32: 1>} : vector<8x16xi32>
    %jit3A_366 = arith.constant 4 : i32
    %div3A_367 = vector.broadcast %jit3A_366 : i32 to vector<8x16xi32>
    %div3A_368 = arith.divsi %iota3A_365, %div3A_367 : vector<8x16xi32>
    %sign3A_369 = arith.constant 0 : i32
    %sign3A_370 = vector.broadcast %sign3A_369 : i32 to vector<8x16xi32>
    %sign3A_371 = arith.cmpi sgt, %iota3A_365, %sign3A_370 : vector<8x16xi32>
    %sign3A_372 = arith.extui %sign3A_371 : vector<8x16xi1> to vector<8x16xi32>
    %sign3A_373 = arith.constant 0 : i32
    %sign3A_374 = vector.broadcast %sign3A_373 : i32 to vector<8x16xi32>
    %sign3A_375 = arith.cmpi slt, %iota3A_365, %sign3A_374 : vector<8x16xi32>
    %sign3A_376 = arith.extui %sign3A_375 : vector<8x16xi1> to vector<8x16xi32>
    %sign3A_377 = arith.subi %sign3A_372, %sign3A_376 : vector<8x16xi32>
    %sign3A_378 = arith.constant 0 : i32
    %sign3A_379 = arith.cmpi sgt, %jit3A_366, %sign3A_378 : i32
    %sign3A_380 = arith.extui %sign3A_379 : i1 to i32
    %sign3A_381 = arith.constant 0 : i32
    %sign3A_382 = arith.cmpi slt, %jit3A_366, %sign3A_381 : i32
    %sign3A_383 = arith.extui %sign3A_382 : i1 to i32
    %sign3A_384 = arith.subi %sign3A_380, %sign3A_383 : i32
    %ne3A_385 = vector.broadcast %sign3A_384 : i32 to vector<8x16xi32>
    %ne3A_386 = arith.cmpi ne, %sign3A_377, %ne3A_385 : vector<8x16xi32>
    %rem3A_387 = vector.broadcast %jit3A_366 : i32 to vector<8x16xi32>
    %rem3A_388 = arith.remsi %iota3A_365, %rem3A_387 : vector<8x16xi32>
    %ne3A_389 = arith.constant 0 : i32
    %ne3A_390 = vector.broadcast %ne3A_389 : i32 to vector<8x16xi32>
    %ne3A_391 = arith.cmpi ne, %rem3A_388, %ne3A_390 : vector<8x16xi32>
    %and3A_392 = arith.andi %ne3A_386, %ne3A_391 : vector<8x16xi1>
    %sub3A_393 = arith.constant 1 : i32
    %sub3A_394 = vector.broadcast %sub3A_393 : i32 to vector<8x16xi32>
    %sub3A_395 = arith.subi %div3A_368, %sub3A_394 : vector<8x16xi32>
    %select_n3A_396 = arith.select %and3A_392, %sub3A_395, %div3A_368 : vector<8x16xi1>, vector<8x16xi32>
    %eq3A_397 = arith.cmpi eq, %select_n3A_396, %iota3A_364 : vector<8x16xi32>
    %jit3A_398 = arith.constant 2.500000e-01 : f32
    %jit3A_399 = arith.constant 0.000000e+00 : f32
    %broadcast_in_dim3A_400 = vector.broadcast %jit3A_398 : f32 to vector<8x16xf32>
    %broadcast_in_dim3A_401 = vector.broadcast %jit3A_399 : f32 to vector<8x16xf32>
    %select_n3A_402 = arith.select %eq3A_397, %broadcast_in_dim3A_400, %broadcast_in_dim3A_401 : vector<8x16xi1>, vector<8x16xf32>
    %dot_general3A_403 = arith.constant dense<0.000000e+00> : vector<8x128xf32>
    %dot_general3A_404 = tpu.matmul %select_n3A_402, %get3A_3, %dot_general3A_403 {dimension_numbers = #tpu.dot_dimension_numbers<[1], [0], [0], [1], [0, 0, 1, 1], [], []>, transpose_lhs_hint = false} : vector<8x16xf32>, vector<16x128xf32>, vector<8x128xf32> -> vector<8x128xf32>
    %get3A_405 = arith.constant 0 : index
    %get3A_406 = arith.constant 64 : index
    %get3A_407 = vector.load %arg6[%get3A_405, %get3A_406] : memref<128x192xf32, #tpu.memory_space<vmem>>, vector<128x64xf32>
    %dot_general3A_408 = arith.constant dense<0.000000e+00> : vector<8x64xf32>
    %dot_general3A_409 = tpu.matmul %dot_general3A_404, %get3A_407, %dot_general3A_408 {dimension_numbers = #tpu.dot_dimension_numbers<[1], [0], [0], [1], [0, 0, 1, 1], [], []>, transpose_lhs_hint = false} : vector<8x128xf32>, vector<128x64xf32>, vector<8x64xf32> -> vector<8x64xf32>
    %get3A_410 = arith.constant 0 : index
    %get3A_411 = arith.constant 64 : index
    %get3A_412 = vector.load %arg7[%get3A_410, %get3A_411] : memref<1x192xf32, #tpu.memory_space<vmem>>, vector<1x64xf32>
    %add3A_413 = vector.broadcast %get3A_412 : vector<1x64xf32> to vector<8x64xf32>
    %add3A_414 = arith.addf %dot_general3A_409, %add3A_413 : vector<8x64xf32>
    %get3A_415 = arith.constant 0 : index
    %get3A_416 = arith.constant 64 : index
    %get3A_417 = vector.load %arg8[%get3A_415, %get3A_416] : memref<128x192xf32, #tpu.memory_space<vmem>>, vector<128x64xf32>
    %dot_general3A_418 = arith.constant dense<0.000000e+00> : vector<16x64xf32>
    %dot_general3A_419 = tpu.matmul %get3A_3, %get3A_417, %dot_general3A_418 {dimension_numbers = #tpu.dot_dimension_numbers<[1], [0], [0], [1], [0, 0, 1, 1], [], []>, transpose_lhs_hint = false} : vector<16x128xf32>, vector<128x64xf32>, vector<16x64xf32> -> vector<16x64xf32>
    %get3A_420 = arith.constant 0 : index
    %get3A_421 = arith.constant 64 : index
    %get3A_422 = vector.load %arg9[%get3A_420, %get3A_421] : memref<1x192xf32, #tpu.memory_space<vmem>>, vector<1x64xf32>
    %add3A_423 = vector.broadcast %get3A_422 : vector<1x64xf32> to vector<16x64xf32>
    %add3A_424 = arith.addf %dot_general3A_419, %add3A_423 : vector<16x64xf32>
    %get3A_425 = arith.constant 0 : index
    %get3A_426 = arith.constant 64 : index
    %get3A_427 = vector.load %arg10[%get3A_425, %get3A_426] : memref<128x192xf32, #tpu.memory_space<vmem>>, vector<128x64xf32>
    %dot_general3A_428 = arith.constant dense<0.000000e+00> : vector<16x64xf32>
    %dot_general3A_429 = tpu.matmul %get3A_3, %get3A_427, %dot_general3A_428 {dimension_numbers = #tpu.dot_dimension_numbers<[1], [0], [0], [1], [0, 0, 1, 1], [], []>, transpose_lhs_hint = false} : vector<16x128xf32>, vector<128x64xf32>, vector<16x64xf32> -> vector<16x64xf32>
    %get3A_430 = arith.constant 0 : index
    %get3A_431 = arith.constant 64 : index
    %get3A_432 = vector.load %arg11[%get3A_430, %get3A_431] : memref<1x192xf32, #tpu.memory_space<vmem>>, vector<1x64xf32>
    %add3A_433 = vector.broadcast %get3A_432 : vector<1x64xf32> to vector<16x64xf32>
    %add3A_434 = arith.addf %dot_general3A_429, %add3A_433 : vector<16x64xf32>
    %dot_general3A_435 = arith.constant dense<0.000000e+00> : vector<8x16xf32>
    %dot_general3A_436 = tpu.matmul %add3A_414, %add3A_424, %dot_general3A_435 {dimension_numbers = #tpu.dot_dimension_numbers<[1], [1], [0], [0], [0, 0, 1, 0], [], []>, transpose_lhs_hint = false} : vector<8x64xf32>, vector<16x64xf32>, vector<8x16xf32> -> vector<8x16xf32>
    %mul3A_437 = arith.constant 1.250000e-01 : f32
    %mul3A_438 = vector.broadcast %mul3A_437 : f32 to vector<8x16xf32>
    %mul3A_439 = arith.mulf %dot_general3A_436, %mul3A_438 : vector<8x16xf32>
    %jit3A_440 = arith.constant 4 : i32
    %div3A_441 = vector.broadcast %jit3A_440 : i32 to vector<8x16xi32>
    %div3A_442 = arith.divsi %iota3A_365, %div3A_441 : vector<8x16xi32>
    %sign3A_443 = arith.constant 0 : i32
    %sign3A_444 = vector.broadcast %sign3A_443 : i32 to vector<8x16xi32>
    %sign3A_445 = arith.cmpi sgt, %iota3A_365, %sign3A_444 : vector<8x16xi32>
    %sign3A_446 = arith.extui %sign3A_445 : vector<8x16xi1> to vector<8x16xi32>
    %sign3A_447 = arith.constant 0 : i32
    %sign3A_448 = vector.broadcast %sign3A_447 : i32 to vector<8x16xi32>
    %sign3A_449 = arith.cmpi slt, %iota3A_365, %sign3A_448 : vector<8x16xi32>
    %sign3A_450 = arith.extui %sign3A_449 : vector<8x16xi1> to vector<8x16xi32>
    %sign3A_451 = arith.subi %sign3A_446, %sign3A_450 : vector<8x16xi32>
    %sign3A_452 = arith.constant 0 : i32
    %sign3A_453 = arith.cmpi sgt, %jit3A_440, %sign3A_452 : i32
    %sign3A_454 = arith.extui %sign3A_453 : i1 to i32
    %sign3A_455 = arith.constant 0 : i32
    %sign3A_456 = arith.cmpi slt, %jit3A_440, %sign3A_455 : i32
    %sign3A_457 = arith.extui %sign3A_456 : i1 to i32
    %sign3A_458 = arith.subi %sign3A_454, %sign3A_457 : i32
    %ne3A_459 = vector.broadcast %sign3A_458 : i32 to vector<8x16xi32>
    %ne3A_460 = arith.cmpi ne, %sign3A_451, %ne3A_459 : vector<8x16xi32>
    %rem3A_461 = vector.broadcast %jit3A_440 : i32 to vector<8x16xi32>
    %rem3A_462 = arith.remsi %iota3A_365, %rem3A_461 : vector<8x16xi32>
    %ne3A_463 = arith.constant 0 : i32
    %ne3A_464 = vector.broadcast %ne3A_463 : i32 to vector<8x16xi32>
    %ne3A_465 = arith.cmpi ne, %rem3A_462, %ne3A_464 : vector<8x16xi32>
    %and3A_466 = arith.andi %ne3A_460, %ne3A_465 : vector<8x16xi1>
    %sub3A_467 = arith.constant 1 : i32
    %sub3A_468 = vector.broadcast %sub3A_467 : i32 to vector<8x16xi32>
    %sub3A_469 = arith.subi %div3A_442, %sub3A_468 : vector<8x16xi32>
    %select_n3A_470 = arith.select %and3A_466, %sub3A_469, %div3A_442 : vector<8x16xi1>, vector<8x16xi32>
    %eq3A_471 = arith.cmpi eq, %select_n3A_470, %iota3A_364 : vector<8x16xi32>
    %jit3A_472 = arith.constant -1.000000e+30 : f32
    %broadcast_in_dim3A_473 = vector.broadcast %jit3A_472 : f32 to vector<8x16xf32>
    %select_n3A_474 = arith.select %eq3A_471, %mul3A_439, %broadcast_in_dim3A_473 : vector<8x16xi1>, vector<8x16xf32>
    %reduce_max3A_475 = arith.constant dense<0xFF800000> : vector<8xf32>
    %reduce_max3A_476 = vector.multi_reduction <maximumf>, %select_n3A_474, %reduce_max3A_475 [1] : vector<8x16xf32> to vector<8xf32>
    %max3A_477 = arith.constant 0xFF800000 : f32
    %max3A_478 = vector.broadcast %max3A_477 : f32 to vector<8xf32>
    %max3A_479 = arith.maximumf %max3A_478, %reduce_max3A_476 : vector<8xf32>
    %broadcast_in_dim3A_480 = vector.shape_cast %max3A_479 : vector<8xf32> to vector<8x1xf32>
    %sub3A_481 = vector.broadcast %broadcast_in_dim3A_480 : vector<8x1xf32> to vector<8x16xf32>
    %sub3A_482 = arith.subf %select_n3A_474, %sub3A_481 : vector<8x16xf32>
    %exp3A_483 = math.exp %sub3A_482 : vector<8x16xf32>
    %reduce_sum3A_484 = arith.constant dense<0.000000e+00> : vector<8xf32>
    %reduce_sum3A_485 = vector.multi_reduction <add>, %exp3A_483, %reduce_sum3A_484 [1] : vector<8x16xf32> to vector<8xf32>
    %broadcast_in_dim3A_486 = vector.shape_cast %reduce_sum3A_485 : vector<8xf32> to vector<8x1xf32>
    %div3A_487 = vector.broadcast %broadcast_in_dim3A_486 : vector<8x1xf32> to vector<8x16xf32>
    %div3A_488 = arith.divf %exp3A_483, %div3A_487 : vector<8x16xf32>
    %dot_general3A_489 = arith.constant dense<0.000000e+00> : vector<8x64xf32>
    %dot_general3A_490 = tpu.matmul %div3A_488, %add3A_434, %dot_general3A_489 {dimension_numbers = #tpu.dot_dimension_numbers<[1], [0], [0], [1], [0, 0, 1, 1], [], []>, transpose_lhs_hint = false} : vector<8x16xf32>, vector<16x64xf32>, vector<8x64xf32> -> vector<8x64xf32>
    %add3A_491 = arith.addf %dot_general3A_490, %dot_general3A_363 : vector<8x64xf32>
    %get3A_492 = arith.constant 0 : index
    %get3A_493 = arith.constant 128 : index
    %get3A_494 = vector.load %arg18[%get3A_492, %get3A_493] : memref<64x384xf32, #tpu.memory_space<vmem>>, vector<64x128xf32>
    %dot_general3A_495 = arith.constant dense<0.000000e+00> : vector<8x128xf32>
    %dot_general3A_496 = tpu.matmul %add3A_491, %get3A_494, %dot_general3A_495 {dimension_numbers = #tpu.dot_dimension_numbers<[1], [0], [0], [1], [0, 0, 1, 1], [], []>, transpose_lhs_hint = false} : vector<8x64xf32>, vector<64x128xf32>, vector<8x128xf32> -> vector<8x128xf32>
    %get3A_497 = arith.constant 0 : index
    %get3A_498 = arith.constant 128 : index
    %get3A_499 = vector.load %arg19[%get3A_497, %get3A_498] : memref<1x384xf32, #tpu.memory_space<vmem>>, vector<1x128xf32>
    %add3A_500 = vector.broadcast %get3A_499 : vector<1x128xf32> to vector<8x128xf32>
    %add3A_501 = arith.addf %dot_general3A_496, %add3A_500 : vector<8x128xf32>
    %iota3A_502 = tpu.iota {dimensions = array<i32: 0>} : vector<8x8xi32>
    %iota3A_503 = tpu.iota {dimensions = array<i32: 1>} : vector<8x8xi32>
    %jit3A_504 = arith.constant 4 : i32
    %div3A_505 = vector.broadcast %jit3A_504 : i32 to vector<8x8xi32>
    %div3A_506 = arith.divsi %iota3A_502, %div3A_505 : vector<8x8xi32>
    %sign3A_507 = arith.constant 0 : i32
    %sign3A_508 = vector.broadcast %sign3A_507 : i32 to vector<8x8xi32>
    %sign3A_509 = arith.cmpi sgt, %iota3A_502, %sign3A_508 : vector<8x8xi32>
    %sign3A_510 = arith.extui %sign3A_509 : vector<8x8xi1> to vector<8x8xi32>
    %sign3A_511 = arith.constant 0 : i32
    %sign3A_512 = vector.broadcast %sign3A_511 : i32 to vector<8x8xi32>
    %sign3A_513 = arith.cmpi slt, %iota3A_502, %sign3A_512 : vector<8x8xi32>
    %sign3A_514 = arith.extui %sign3A_513 : vector<8x8xi1> to vector<8x8xi32>
    %sign3A_515 = arith.subi %sign3A_510, %sign3A_514 : vector<8x8xi32>
    %sign3A_516 = arith.constant 0 : i32
    %sign3A_517 = arith.cmpi sgt, %jit3A_504, %sign3A_516 : i32
    %sign3A_518 = arith.extui %sign3A_517 : i1 to i32
    %sign3A_519 = arith.constant 0 : i32
    %sign3A_520 = arith.cmpi slt, %jit3A_504, %sign3A_519 : i32
    %sign3A_521 = arith.extui %sign3A_520 : i1 to i32
    %sign3A_522 = arith.subi %sign3A_518, %sign3A_521 : i32
    %ne3A_523 = vector.broadcast %sign3A_522 : i32 to vector<8x8xi32>
    %ne3A_524 = arith.cmpi ne, %sign3A_515, %ne3A_523 : vector<8x8xi32>
    %rem3A_525 = vector.broadcast %jit3A_504 : i32 to vector<8x8xi32>
    %rem3A_526 = arith.remsi %iota3A_502, %rem3A_525 : vector<8x8xi32>
    %ne3A_527 = arith.constant 0 : i32
    %ne3A_528 = vector.broadcast %ne3A_527 : i32 to vector<8x8xi32>
    %ne3A_529 = arith.cmpi ne, %rem3A_526, %ne3A_528 : vector<8x8xi32>
    %and3A_530 = arith.andi %ne3A_524, %ne3A_529 : vector<8x8xi1>
    %sub3A_531 = arith.constant 1 : i32
    %sub3A_532 = vector.broadcast %sub3A_531 : i32 to vector<8x8xi32>
    %sub3A_533 = arith.subi %div3A_506, %sub3A_532 : vector<8x8xi32>
    %select_n3A_534 = arith.select %and3A_530, %sub3A_533, %div3A_506 : vector<8x8xi1>, vector<8x8xi32>
    %eq3A_535 = arith.cmpi eq, %iota3A_503, %select_n3A_534 : vector<8x8xi32>
    %lt3A_536 = arith.constant 4 : i32
    %lt3A_537 = vector.broadcast %lt3A_536 : i32 to vector<8x8xi32>
    %lt3A_538 = arith.cmpi slt, %iota3A_502, %lt3A_537 : vector<8x8xi32>
    %and3A_539 = arith.andi %eq3A_535, %lt3A_538 : vector<8x8xi1>
    %jit3A_540 = arith.constant 1.000000e+00 : f32
    %jit3A_541 = arith.constant 0.000000e+00 : f32
    %broadcast_in_dim3A_542 = vector.broadcast %jit3A_540 : f32 to vector<8x8xf32>
    %broadcast_in_dim3A_543 = vector.broadcast %jit3A_541 : f32 to vector<8x8xf32>
    %select_n3A_544 = arith.select %and3A_539, %broadcast_in_dim3A_542, %broadcast_in_dim3A_543 : vector<8x8xi1>, vector<8x8xf32>
    %dot_general3A_545 = arith.constant dense<0.000000e+00> : vector<8x128xf32>
    %dot_general3A_546 = tpu.matmul %select_n3A_544, %add3A_501, %dot_general3A_545 {dimension_numbers = #tpu.dot_dimension_numbers<[1], [0], [0], [1], [0, 0, 1, 1], [], []>, transpose_lhs_hint = false} : vector<8x8xf32>, vector<8x128xf32>, vector<8x128xf32> -> vector<8x128xf32>
    %concatenate3A_547 = tpu.concatenate %dot_general3A_546, %dot_general3A_546, %dot_general3A_546, %dot_general3A_546 in 1 : vector<8x128xf32>, vector<8x128xf32>, vector<8x128xf32>, vector<8x128xf32> -> vector<8x512xf32>
    %iota3A_548 = tpu.iota {dimensions = array<i32: 1>} : vector<8x512xi32>
    %iota3A_549 = tpu.iota {dimensions = array<i32: 0>} : vector<8x512xi32>
    %jit3A_550 = arith.constant 128 : i32
    %div3A_551 = vector.broadcast %jit3A_550 : i32 to vector<8x512xi32>
    %div3A_552 = arith.divsi %iota3A_548, %div3A_551 : vector<8x512xi32>
    %sign3A_553 = arith.constant 0 : i32
    %sign3A_554 = vector.broadcast %sign3A_553 : i32 to vector<8x512xi32>
    %sign3A_555 = arith.cmpi sgt, %iota3A_548, %sign3A_554 : vector<8x512xi32>
    %sign3A_556 = arith.extui %sign3A_555 : vector<8x512xi1> to vector<8x512xi32>
    %sign3A_557 = arith.constant 0 : i32
    %sign3A_558 = vector.broadcast %sign3A_557 : i32 to vector<8x512xi32>
    %sign3A_559 = arith.cmpi slt, %iota3A_548, %sign3A_558 : vector<8x512xi32>
    %sign3A_560 = arith.extui %sign3A_559 : vector<8x512xi1> to vector<8x512xi32>
    %sign3A_561 = arith.subi %sign3A_556, %sign3A_560 : vector<8x512xi32>
    %sign3A_562 = arith.constant 0 : i32
    %sign3A_563 = arith.cmpi sgt, %jit3A_550, %sign3A_562 : i32
    %sign3A_564 = arith.extui %sign3A_563 : i1 to i32
    %sign3A_565 = arith.constant 0 : i32
    %sign3A_566 = arith.cmpi slt, %jit3A_550, %sign3A_565 : i32
    %sign3A_567 = arith.extui %sign3A_566 : i1 to i32
    %sign3A_568 = arith.subi %sign3A_564, %sign3A_567 : i32
    %ne3A_569 = vector.broadcast %sign3A_568 : i32 to vector<8x512xi32>
    %ne3A_570 = arith.cmpi ne, %sign3A_561, %ne3A_569 : vector<8x512xi32>
    %rem3A_571 = vector.broadcast %jit3A_550 : i32 to vector<8x512xi32>
    %rem3A_572 = arith.remsi %iota3A_548, %rem3A_571 : vector<8x512xi32>
    %ne3A_573 = arith.constant 0 : i32
    %ne3A_574 = vector.broadcast %ne3A_573 : i32 to vector<8x512xi32>
    %ne3A_575 = arith.cmpi ne, %rem3A_572, %ne3A_574 : vector<8x512xi32>
    %and3A_576 = arith.andi %ne3A_570, %ne3A_575 : vector<8x512xi1>
    %sub3A_577 = arith.constant 1 : i32
    %sub3A_578 = vector.broadcast %sub3A_577 : i32 to vector<8x512xi32>
    %sub3A_579 = arith.subi %div3A_552, %sub3A_578 : vector<8x512xi32>
    %select_n3A_580 = arith.select %and3A_576, %sub3A_579, %div3A_552 : vector<8x512xi1>, vector<8x512xi32>
    %eq3A_581 = arith.cmpi eq, %select_n3A_580, %iota3A_549 : vector<8x512xi32>
    %jit3A_582 = arith.constant 0.000000e+00 : f32
    %broadcast_in_dim3A_583 = vector.broadcast %jit3A_582 : f32 to vector<8x512xf32>
    %select_n3A_584 = arith.select %eq3A_581, %concatenate3A_547, %broadcast_in_dim3A_583 : vector<8x512xi1>, vector<8x512xf32>
    %get3A_585 = arith.constant 512 : index
    %get3A_586 = arith.constant 0 : index
    %get3A_587 = vector.load %arg20[%get3A_585, %get3A_586] : memref<1536x128xf32, #tpu.memory_space<vmem>>, vector<512x128xf32>
    %dot_general3A_588 = arith.constant dense<0.000000e+00> : vector<8x128xf32>
    %dot_general3A_589 = tpu.matmul %select_n3A_584, %get3A_587, %dot_general3A_588 {dimension_numbers = #tpu.dot_dimension_numbers<[1], [0], [0], [1], [0, 0, 1, 1], [], []>, transpose_lhs_hint = false} : vector<8x512xf32>, vector<512x128xf32>, vector<8x128xf32> -> vector<8x128xf32>
    %get3A_590 = arith.constant 0 : index
    %get3A_591 = arith.constant 0 : index
    %get3A_592 = arith.constant 0 : index
    %get3A_593 = vector.load %arg5[%get3A_590, %get3A_591, %get3A_592] : memref<1x8x8xf32, #tpu.memory_space<vmem>>, vector<1x8x8xf32>
    %get3A_594 = vector.shape_cast %get3A_593 : vector<1x8x8xf32> to vector<8x8xf32>
    %slice3A_595 = vector.extract_strided_slice %get3A_594 {offsets = [0, 1], sizes = [8, 1], strides = [1, 1]} : vector<8x8xf32> to vector<8x1xf32>
    %get3A_596 = arith.constant 0 : index
    %get3A_597 = arith.constant 128 : index
    %get3A_598 = vector.load %arg21[%get3A_596, %get3A_597] : memref<1x384xf32, #tpu.memory_space<vmem>>, vector<1x128xf32>
    %add3A_599 = vector.broadcast %get3A_598 : vector<1x128xf32> to vector<8x128xf32>
    %add3A_600 = arith.addf %dot_general3A_589, %add3A_599 : vector<8x128xf32>
    %mul3A_601 = vector.broadcast %slice3A_595 : vector<8x1xf32> to vector<8x128xf32>
    %mul3A_602 = arith.mulf %add3A_600, %mul3A_601 : vector<8x128xf32>
    %add3A_603 = arith.addf %add3A_293, %mul3A_602 : vector<8x128xf32>
    %get3A_604 = arith.constant 0 : index
    %get3A_605 = arith.constant 0 : index
    %get3A_606 = arith.constant 0 : index
    %get3A_607 = vector.load %arg4[%get3A_604, %get3A_605, %get3A_606] : memref<1x176x768xf32, #tpu.memory_space<vmem>>, vector<1x176x768xf32>
    %get3A_608 = vector.shape_cast %get3A_607 : vector<1x176x768xf32> to vector<176x768xf32>
    %get3A_609 = arith.constant 0 : index
    %get3A_610 = arith.constant 128 : index
    %get3A_611 = vector.load %arg14[%get3A_609, %get3A_610] : memref<768x192xf32, #tpu.memory_space<vmem>>, vector<768x64xf32>
    %dot_general3A_612 = arith.constant dense<0.000000e+00> : vector<176x64xf32>
    %dot_general3A_613 = tpu.matmul %get3A_608, %get3A_611, %dot_general3A_612 {dimension_numbers = #tpu.dot_dimension_numbers<[1], [0], [0], [1], [0, 0, 1, 1], [], []>, transpose_lhs_hint = false} : vector<176x768xf32>, vector<768x64xf32>, vector<176x64xf32> -> vector<176x64xf32>
    %get3A_614 = arith.constant 0 : index
    %get3A_615 = arith.constant 128 : index
    %get3A_616 = vector.load %arg15[%get3A_614, %get3A_615] : memref<1x192xf32, #tpu.memory_space<vmem>>, vector<1x64xf32>
    %add3A_617 = vector.broadcast %get3A_616 : vector<1x64xf32> to vector<176x64xf32>
    %add3A_618 = arith.addf %dot_general3A_613, %add3A_617 : vector<176x64xf32>
    %get3A_619 = arith.constant 0 : index
    %get3A_620 = arith.constant 128 : index
    %get3A_621 = vector.load %arg16[%get3A_619, %get3A_620] : memref<768x192xf32, #tpu.memory_space<vmem>>, vector<768x64xf32>
    %dot_general3A_622 = arith.constant dense<0.000000e+00> : vector<176x64xf32>
    %dot_general3A_623 = tpu.matmul %get3A_608, %get3A_621, %dot_general3A_622 {dimension_numbers = #tpu.dot_dimension_numbers<[1], [0], [0], [1], [0, 0, 1, 1], [], []>, transpose_lhs_hint = false} : vector<176x768xf32>, vector<768x64xf32>, vector<176x64xf32> -> vector<176x64xf32>
    %get3A_624 = arith.constant 0 : index
    %get3A_625 = arith.constant 128 : index
    %get3A_626 = vector.load %arg17[%get3A_624, %get3A_625] : memref<1x192xf32, #tpu.memory_space<vmem>>, vector<1x64xf32>
    %add3A_627 = vector.broadcast %get3A_626 : vector<1x64xf32> to vector<176x64xf32>
    %add3A_628 = arith.addf %dot_general3A_623, %add3A_627 : vector<176x64xf32>
    %slice3A_629 = vector.extract_strided_slice %get3A_608 {offsets = [0, 0], sizes = [8, 768], strides = [1, 1]} : vector<176x768xf32> to vector<8x768xf32>
    %get3A_630 = arith.constant 0 : index
    %get3A_631 = arith.constant 128 : index
    %get3A_632 = vector.load %arg12[%get3A_630, %get3A_631] : memref<768x192xf32, #tpu.memory_space<vmem>>, vector<768x64xf32>
    %dot_general3A_633 = arith.constant dense<0.000000e+00> : vector<8x64xf32>
    %dot_general3A_634 = tpu.matmul %slice3A_629, %get3A_632, %dot_general3A_633 {dimension_numbers = #tpu.dot_dimension_numbers<[1], [0], [0], [1], [0, 0, 1, 1], [], []>, transpose_lhs_hint = false} : vector<8x768xf32>, vector<768x64xf32>, vector<8x64xf32> -> vector<8x64xf32>
    %get3A_635 = arith.constant 0 : index
    %get3A_636 = arith.constant 128 : index
    %get3A_637 = vector.load %arg13[%get3A_635, %get3A_636] : memref<1x192xf32, #tpu.memory_space<vmem>>, vector<1x64xf32>
    %add3A_638 = vector.broadcast %get3A_637 : vector<1x64xf32> to vector<8x64xf32>
    %add3A_639 = arith.addf %dot_general3A_634, %add3A_638 : vector<8x64xf32>
    %dot_general3A_640 = arith.constant dense<0.000000e+00> : vector<8x176xf32>
    %dot_general3A_641 = tpu.matmul %add3A_639, %add3A_618, %dot_general3A_640 {dimension_numbers = #tpu.dot_dimension_numbers<[1], [1], [0], [0], [0, 0, 1, 0], [], []>, transpose_lhs_hint = false} : vector<8x64xf32>, vector<176x64xf32>, vector<8x176xf32> -> vector<8x176xf32>
    %logistic3A_642 = arith.negf %dot_general3A_641 : vector<8x176xf32>
    %logistic3A_643 = math.exp %logistic3A_642 : vector<8x176xf32>
    %logistic3A_644 = arith.constant 1.000000e+00 : f32
    %logistic3A_645 = vector.broadcast %logistic3A_644 : f32 to vector<8x176xf32>
    %logistic3A_646 = arith.addf %logistic3A_645, %logistic3A_643 : vector<8x176xf32>
    %logistic3A_647 = arith.divf %logistic3A_645, %logistic3A_646 : vector<8x176xf32>
    %mul3A_648 = arith.constant 1.250000e-01 : f32
    %mul3A_649 = vector.broadcast %mul3A_648 : f32 to vector<8x176xf32>
    %mul3A_650 = arith.mulf %logistic3A_647, %mul3A_649 : vector<8x176xf32>
    %iota3A_651 = tpu.iota {dimensions = array<i32: 1>} : vector<8x176xi32>
    %lt3A_652 = arith.constant 171 : i32
    %lt3A_653 = vector.broadcast %lt3A_652 : i32 to vector<8x176xi32>
    %lt3A_654 = arith.cmpi slt, %iota3A_651, %lt3A_653 : vector<8x176xi32>
    %jit3A_655 = arith.constant 0xFF800000 : f32
    %broadcast_in_dim3A_656 = vector.broadcast %jit3A_655 : f32 to vector<8x176xf32>
    %select_n3A_657 = arith.select %lt3A_654, %mul3A_650, %broadcast_in_dim3A_656 : vector<8x176xi1>, vector<8x176xf32>
    %reduce_max3A_658 = arith.constant dense<0xFF800000> : vector<8xf32>
    %reduce_max3A_659 = vector.multi_reduction <maximumf>, %select_n3A_657, %reduce_max3A_658 [1] : vector<8x176xf32> to vector<8xf32>
    %max3A_660 = arith.constant 0xFF800000 : f32
    %max3A_661 = vector.broadcast %max3A_660 : f32 to vector<8xf32>
    %max3A_662 = arith.maximumf %max3A_661, %reduce_max3A_659 : vector<8xf32>
    %broadcast_in_dim3A_663 = vector.shape_cast %max3A_662 : vector<8xf32> to vector<8x1xf32>
    %sub3A_664 = vector.broadcast %broadcast_in_dim3A_663 : vector<8x1xf32> to vector<8x176xf32>
    %sub3A_665 = arith.subf %select_n3A_657, %sub3A_664 : vector<8x176xf32>
    %exp3A_666 = math.exp %sub3A_665 : vector<8x176xf32>
    %reduce_sum3A_667 = arith.constant dense<0.000000e+00> : vector<8xf32>
    %reduce_sum3A_668 = vector.multi_reduction <add>, %exp3A_666, %reduce_sum3A_667 [1] : vector<8x176xf32> to vector<8xf32>
    %broadcast_in_dim3A_669 = vector.shape_cast %reduce_sum3A_668 : vector<8xf32> to vector<8x1xf32>
    %div3A_670 = vector.broadcast %broadcast_in_dim3A_669 : vector<8x1xf32> to vector<8x176xf32>
    %div3A_671 = arith.divf %exp3A_666, %div3A_670 : vector<8x176xf32>
    %dot_general3A_672 = arith.constant dense<0.000000e+00> : vector<8x64xf32>
    %dot_general3A_673 = tpu.matmul %div3A_671, %add3A_628, %dot_general3A_672 {dimension_numbers = #tpu.dot_dimension_numbers<[1], [0], [0], [1], [0, 0, 1, 1], [], []>, transpose_lhs_hint = false} : vector<8x176xf32>, vector<176x64xf32>, vector<8x64xf32> -> vector<8x64xf32>
    %iota3A_674 = tpu.iota {dimensions = array<i32: 0>} : vector<8x16xi32>
    %iota3A_675 = tpu.iota {dimensions = array<i32: 1>} : vector<8x16xi32>
    %jit3A_676 = arith.constant 6 : i32
    %div3A_677 = vector.broadcast %jit3A_676 : i32 to vector<8x16xi32>
    %div3A_678 = arith.divsi %iota3A_675, %div3A_677 : vector<8x16xi32>
    %sign3A_679 = arith.constant 0 : i32
    %sign3A_680 = vector.broadcast %sign3A_679 : i32 to vector<8x16xi32>
    %sign3A_681 = arith.cmpi sgt, %iota3A_675, %sign3A_680 : vector<8x16xi32>
    %sign3A_682 = arith.extui %sign3A_681 : vector<8x16xi1> to vector<8x16xi32>
    %sign3A_683 = arith.constant 0 : i32
    %sign3A_684 = vector.broadcast %sign3A_683 : i32 to vector<8x16xi32>
    %sign3A_685 = arith.cmpi slt, %iota3A_675, %sign3A_684 : vector<8x16xi32>
    %sign3A_686 = arith.extui %sign3A_685 : vector<8x16xi1> to vector<8x16xi32>
    %sign3A_687 = arith.subi %sign3A_682, %sign3A_686 : vector<8x16xi32>
    %sign3A_688 = arith.constant 0 : i32
    %sign3A_689 = arith.cmpi sgt, %jit3A_676, %sign3A_688 : i32
    %sign3A_690 = arith.extui %sign3A_689 : i1 to i32
    %sign3A_691 = arith.constant 0 : i32
    %sign3A_692 = arith.cmpi slt, %jit3A_676, %sign3A_691 : i32
    %sign3A_693 = arith.extui %sign3A_692 : i1 to i32
    %sign3A_694 = arith.subi %sign3A_690, %sign3A_693 : i32
    %ne3A_695 = vector.broadcast %sign3A_694 : i32 to vector<8x16xi32>
    %ne3A_696 = arith.cmpi ne, %sign3A_687, %ne3A_695 : vector<8x16xi32>
    %rem3A_697 = vector.broadcast %jit3A_676 : i32 to vector<8x16xi32>
    %rem3A_698 = arith.remsi %iota3A_675, %rem3A_697 : vector<8x16xi32>
    %ne3A_699 = arith.constant 0 : i32
    %ne3A_700 = vector.broadcast %ne3A_699 : i32 to vector<8x16xi32>
    %ne3A_701 = arith.cmpi ne, %rem3A_698, %ne3A_700 : vector<8x16xi32>
    %and3A_702 = arith.andi %ne3A_696, %ne3A_701 : vector<8x16xi1>
    %sub3A_703 = arith.constant 1 : i32
    %sub3A_704 = vector.broadcast %sub3A_703 : i32 to vector<8x16xi32>
    %sub3A_705 = arith.subi %div3A_678, %sub3A_704 : vector<8x16xi32>
    %select_n3A_706 = arith.select %and3A_702, %sub3A_705, %div3A_678 : vector<8x16xi1>, vector<8x16xi32>
    %eq3A_707 = arith.cmpi eq, %select_n3A_706, %iota3A_674 : vector<8x16xi32>
    %jit3A_708 = arith.constant 0.166666672 : f32
    %jit3A_709 = arith.constant 0.000000e+00 : f32
    %broadcast_in_dim3A_710 = vector.broadcast %jit3A_708 : f32 to vector<8x16xf32>
    %broadcast_in_dim3A_711 = vector.broadcast %jit3A_709 : f32 to vector<8x16xf32>
    %select_n3A_712 = arith.select %eq3A_707, %broadcast_in_dim3A_710, %broadcast_in_dim3A_711 : vector<8x16xi1>, vector<8x16xf32>
    %dot_general3A_713 = arith.constant dense<0.000000e+00> : vector<8x128xf32>
    %dot_general3A_714 = tpu.matmul %select_n3A_712, %get3A_3, %dot_general3A_713 {dimension_numbers = #tpu.dot_dimension_numbers<[1], [0], [0], [1], [0, 0, 1, 1], [], []>, transpose_lhs_hint = false} : vector<8x16xf32>, vector<16x128xf32>, vector<8x128xf32> -> vector<8x128xf32>
    %get3A_715 = arith.constant 0 : index
    %get3A_716 = arith.constant 128 : index
    %get3A_717 = vector.load %arg6[%get3A_715, %get3A_716] : memref<128x192xf32, #tpu.memory_space<vmem>>, vector<128x64xf32>
    %dot_general3A_718 = arith.constant dense<0.000000e+00> : vector<8x64xf32>
    %dot_general3A_719 = tpu.matmul %dot_general3A_714, %get3A_717, %dot_general3A_718 {dimension_numbers = #tpu.dot_dimension_numbers<[1], [0], [0], [1], [0, 0, 1, 1], [], []>, transpose_lhs_hint = false} : vector<8x128xf32>, vector<128x64xf32>, vector<8x64xf32> -> vector<8x64xf32>
    %get3A_720 = arith.constant 0 : index
    %get3A_721 = arith.constant 128 : index
    %get3A_722 = vector.load %arg7[%get3A_720, %get3A_721] : memref<1x192xf32, #tpu.memory_space<vmem>>, vector<1x64xf32>
    %add3A_723 = vector.broadcast %get3A_722 : vector<1x64xf32> to vector<8x64xf32>
    %add3A_724 = arith.addf %dot_general3A_719, %add3A_723 : vector<8x64xf32>
    %get3A_725 = arith.constant 0 : index
    %get3A_726 = arith.constant 128 : index
    %get3A_727 = vector.load %arg8[%get3A_725, %get3A_726] : memref<128x192xf32, #tpu.memory_space<vmem>>, vector<128x64xf32>
    %dot_general3A_728 = arith.constant dense<0.000000e+00> : vector<16x64xf32>
    %dot_general3A_729 = tpu.matmul %get3A_3, %get3A_727, %dot_general3A_728 {dimension_numbers = #tpu.dot_dimension_numbers<[1], [0], [0], [1], [0, 0, 1, 1], [], []>, transpose_lhs_hint = false} : vector<16x128xf32>, vector<128x64xf32>, vector<16x64xf32> -> vector<16x64xf32>
    %get3A_730 = arith.constant 0 : index
    %get3A_731 = arith.constant 128 : index
    %get3A_732 = vector.load %arg9[%get3A_730, %get3A_731] : memref<1x192xf32, #tpu.memory_space<vmem>>, vector<1x64xf32>
    %add3A_733 = vector.broadcast %get3A_732 : vector<1x64xf32> to vector<16x64xf32>
    %add3A_734 = arith.addf %dot_general3A_729, %add3A_733 : vector<16x64xf32>
    %get3A_735 = arith.constant 0 : index
    %get3A_736 = arith.constant 128 : index
    %get3A_737 = vector.load %arg10[%get3A_735, %get3A_736] : memref<128x192xf32, #tpu.memory_space<vmem>>, vector<128x64xf32>
    %dot_general3A_738 = arith.constant dense<0.000000e+00> : vector<16x64xf32>
    %dot_general3A_739 = tpu.matmul %get3A_3, %get3A_737, %dot_general3A_738 {dimension_numbers = #tpu.dot_dimension_numbers<[1], [0], [0], [1], [0, 0, 1, 1], [], []>, transpose_lhs_hint = false} : vector<16x128xf32>, vector<128x64xf32>, vector<16x64xf32> -> vector<16x64xf32>
    %get3A_740 = arith.constant 0 : index
    %get3A_741 = arith.constant 128 : index
    %get3A_742 = vector.load %arg11[%get3A_740, %get3A_741] : memref<1x192xf32, #tpu.memory_space<vmem>>, vector<1x64xf32>
    %add3A_743 = vector.broadcast %get3A_742 : vector<1x64xf32> to vector<16x64xf32>
    %add3A_744 = arith.addf %dot_general3A_739, %add3A_743 : vector<16x64xf32>
    %dot_general3A_745 = arith.constant dense<0.000000e+00> : vector<8x16xf32>
    %dot_general3A_746 = tpu.matmul %add3A_724, %add3A_734, %dot_general3A_745 {dimension_numbers = #tpu.dot_dimension_numbers<[1], [1], [0], [0], [0, 0, 1, 0], [], []>, transpose_lhs_hint = false} : vector<8x64xf32>, vector<16x64xf32>, vector<8x16xf32> -> vector<8x16xf32>
    %mul3A_747 = arith.constant 1.250000e-01 : f32
    %mul3A_748 = vector.broadcast %mul3A_747 : f32 to vector<8x16xf32>
    %mul3A_749 = arith.mulf %dot_general3A_746, %mul3A_748 : vector<8x16xf32>
    %jit3A_750 = arith.constant 6 : i32
    %div3A_751 = vector.broadcast %jit3A_750 : i32 to vector<8x16xi32>
    %div3A_752 = arith.divsi %iota3A_675, %div3A_751 : vector<8x16xi32>
    %sign3A_753 = arith.constant 0 : i32
    %sign3A_754 = vector.broadcast %sign3A_753 : i32 to vector<8x16xi32>
    %sign3A_755 = arith.cmpi sgt, %iota3A_675, %sign3A_754 : vector<8x16xi32>
    %sign3A_756 = arith.extui %sign3A_755 : vector<8x16xi1> to vector<8x16xi32>
    %sign3A_757 = arith.constant 0 : i32
    %sign3A_758 = vector.broadcast %sign3A_757 : i32 to vector<8x16xi32>
    %sign3A_759 = arith.cmpi slt, %iota3A_675, %sign3A_758 : vector<8x16xi32>
    %sign3A_760 = arith.extui %sign3A_759 : vector<8x16xi1> to vector<8x16xi32>
    %sign3A_761 = arith.subi %sign3A_756, %sign3A_760 : vector<8x16xi32>
    %sign3A_762 = arith.constant 0 : i32
    %sign3A_763 = arith.cmpi sgt, %jit3A_750, %sign3A_762 : i32
    %sign3A_764 = arith.extui %sign3A_763 : i1 to i32
    %sign3A_765 = arith.constant 0 : i32
    %sign3A_766 = arith.cmpi slt, %jit3A_750, %sign3A_765 : i32
    %sign3A_767 = arith.extui %sign3A_766 : i1 to i32
    %sign3A_768 = arith.subi %sign3A_764, %sign3A_767 : i32
    %ne3A_769 = vector.broadcast %sign3A_768 : i32 to vector<8x16xi32>
    %ne3A_770 = arith.cmpi ne, %sign3A_761, %ne3A_769 : vector<8x16xi32>
    %rem3A_771 = vector.broadcast %jit3A_750 : i32 to vector<8x16xi32>
    %rem3A_772 = arith.remsi %iota3A_675, %rem3A_771 : vector<8x16xi32>
    %ne3A_773 = arith.constant 0 : i32
    %ne3A_774 = vector.broadcast %ne3A_773 : i32 to vector<8x16xi32>
    %ne3A_775 = arith.cmpi ne, %rem3A_772, %ne3A_774 : vector<8x16xi32>
    %and3A_776 = arith.andi %ne3A_770, %ne3A_775 : vector<8x16xi1>
    %sub3A_777 = arith.constant 1 : i32
    %sub3A_778 = vector.broadcast %sub3A_777 : i32 to vector<8x16xi32>
    %sub3A_779 = arith.subi %div3A_752, %sub3A_778 : vector<8x16xi32>
    %select_n3A_780 = arith.select %and3A_776, %sub3A_779, %div3A_752 : vector<8x16xi1>, vector<8x16xi32>
    %eq3A_781 = arith.cmpi eq, %select_n3A_780, %iota3A_674 : vector<8x16xi32>
    %jit3A_782 = arith.constant -1.000000e+30 : f32
    %broadcast_in_dim3A_783 = vector.broadcast %jit3A_782 : f32 to vector<8x16xf32>
    %select_n3A_784 = arith.select %eq3A_781, %mul3A_749, %broadcast_in_dim3A_783 : vector<8x16xi1>, vector<8x16xf32>
    %reduce_max3A_785 = arith.constant dense<0xFF800000> : vector<8xf32>
    %reduce_max3A_786 = vector.multi_reduction <maximumf>, %select_n3A_784, %reduce_max3A_785 [1] : vector<8x16xf32> to vector<8xf32>
    %max3A_787 = arith.constant 0xFF800000 : f32
    %max3A_788 = vector.broadcast %max3A_787 : f32 to vector<8xf32>
    %max3A_789 = arith.maximumf %max3A_788, %reduce_max3A_786 : vector<8xf32>
    %broadcast_in_dim3A_790 = vector.shape_cast %max3A_789 : vector<8xf32> to vector<8x1xf32>
    %sub3A_791 = vector.broadcast %broadcast_in_dim3A_790 : vector<8x1xf32> to vector<8x16xf32>
    %sub3A_792 = arith.subf %select_n3A_784, %sub3A_791 : vector<8x16xf32>
    %exp3A_793 = math.exp %sub3A_792 : vector<8x16xf32>
    %reduce_sum3A_794 = arith.constant dense<0.000000e+00> : vector<8xf32>
    %reduce_sum3A_795 = vector.multi_reduction <add>, %exp3A_793, %reduce_sum3A_794 [1] : vector<8x16xf32> to vector<8xf32>
    %broadcast_in_dim3A_796 = vector.shape_cast %reduce_sum3A_795 : vector<8xf32> to vector<8x1xf32>
    %div3A_797 = vector.broadcast %broadcast_in_dim3A_796 : vector<8x1xf32> to vector<8x16xf32>
    %div3A_798 = arith.divf %exp3A_793, %div3A_797 : vector<8x16xf32>
    %dot_general3A_799 = arith.constant dense<0.000000e+00> : vector<8x64xf32>
    %dot_general3A_800 = tpu.matmul %div3A_798, %add3A_744, %dot_general3A_799 {dimension_numbers = #tpu.dot_dimension_numbers<[1], [0], [0], [1], [0, 0, 1, 1], [], []>, transpose_lhs_hint = false} : vector<8x16xf32>, vector<16x64xf32>, vector<8x64xf32> -> vector<8x64xf32>
    %add3A_801 = arith.addf %dot_general3A_800, %dot_general3A_673 : vector<8x64xf32>
    %get3A_802 = arith.constant 0 : index
    %get3A_803 = arith.constant 256 : index
    %get3A_804 = vector.load %arg18[%get3A_802, %get3A_803] : memref<64x384xf32, #tpu.memory_space<vmem>>, vector<64x128xf32>
    %dot_general3A_805 = arith.constant dense<0.000000e+00> : vector<8x128xf32>
    %dot_general3A_806 = tpu.matmul %add3A_801, %get3A_804, %dot_general3A_805 {dimension_numbers = #tpu.dot_dimension_numbers<[1], [0], [0], [1], [0, 0, 1, 1], [], []>, transpose_lhs_hint = false} : vector<8x64xf32>, vector<64x128xf32>, vector<8x128xf32> -> vector<8x128xf32>
    %get3A_807 = arith.constant 0 : index
    %get3A_808 = arith.constant 256 : index
    %get3A_809 = vector.load %arg19[%get3A_807, %get3A_808] : memref<1x384xf32, #tpu.memory_space<vmem>>, vector<1x128xf32>
    %add3A_810 = vector.broadcast %get3A_809 : vector<1x128xf32> to vector<8x128xf32>
    %add3A_811 = arith.addf %dot_general3A_806, %add3A_810 : vector<8x128xf32>
    %iota3A_812 = tpu.iota {dimensions = array<i32: 0>} : vector<8x8xi32>
    %iota3A_813 = tpu.iota {dimensions = array<i32: 1>} : vector<8x8xi32>
    %jit3A_814 = arith.constant 6 : i32
    %div3A_815 = vector.broadcast %jit3A_814 : i32 to vector<8x8xi32>
    %div3A_816 = arith.divsi %iota3A_812, %div3A_815 : vector<8x8xi32>
    %sign3A_817 = arith.constant 0 : i32
    %sign3A_818 = vector.broadcast %sign3A_817 : i32 to vector<8x8xi32>
    %sign3A_819 = arith.cmpi sgt, %iota3A_812, %sign3A_818 : vector<8x8xi32>
    %sign3A_820 = arith.extui %sign3A_819 : vector<8x8xi1> to vector<8x8xi32>
    %sign3A_821 = arith.constant 0 : i32
    %sign3A_822 = vector.broadcast %sign3A_821 : i32 to vector<8x8xi32>
    %sign3A_823 = arith.cmpi slt, %iota3A_812, %sign3A_822 : vector<8x8xi32>
    %sign3A_824 = arith.extui %sign3A_823 : vector<8x8xi1> to vector<8x8xi32>
    %sign3A_825 = arith.subi %sign3A_820, %sign3A_824 : vector<8x8xi32>
    %sign3A_826 = arith.constant 0 : i32
    %sign3A_827 = arith.cmpi sgt, %jit3A_814, %sign3A_826 : i32
    %sign3A_828 = arith.extui %sign3A_827 : i1 to i32
    %sign3A_829 = arith.constant 0 : i32
    %sign3A_830 = arith.cmpi slt, %jit3A_814, %sign3A_829 : i32
    %sign3A_831 = arith.extui %sign3A_830 : i1 to i32
    %sign3A_832 = arith.subi %sign3A_828, %sign3A_831 : i32
    %ne3A_833 = vector.broadcast %sign3A_832 : i32 to vector<8x8xi32>
    %ne3A_834 = arith.cmpi ne, %sign3A_825, %ne3A_833 : vector<8x8xi32>
    %rem3A_835 = vector.broadcast %jit3A_814 : i32 to vector<8x8xi32>
    %rem3A_836 = arith.remsi %iota3A_812, %rem3A_835 : vector<8x8xi32>
    %ne3A_837 = arith.constant 0 : i32
    %ne3A_838 = vector.broadcast %ne3A_837 : i32 to vector<8x8xi32>
    %ne3A_839 = arith.cmpi ne, %rem3A_836, %ne3A_838 : vector<8x8xi32>
    %and3A_840 = arith.andi %ne3A_834, %ne3A_839 : vector<8x8xi1>
    %sub3A_841 = arith.constant 1 : i32
    %sub3A_842 = vector.broadcast %sub3A_841 : i32 to vector<8x8xi32>
    %sub3A_843 = arith.subi %div3A_816, %sub3A_842 : vector<8x8xi32>
    %select_n3A_844 = arith.select %and3A_840, %sub3A_843, %div3A_816 : vector<8x8xi1>, vector<8x8xi32>
    %eq3A_845 = arith.cmpi eq, %iota3A_813, %select_n3A_844 : vector<8x8xi32>
    %lt3A_846 = arith.constant 4 : i32
    %lt3A_847 = vector.broadcast %lt3A_846 : i32 to vector<8x8xi32>
    %lt3A_848 = arith.cmpi slt, %iota3A_812, %lt3A_847 : vector<8x8xi32>
    %and3A_849 = arith.andi %eq3A_845, %lt3A_848 : vector<8x8xi1>
    %jit3A_850 = arith.constant 1.000000e+00 : f32
    %jit3A_851 = arith.constant 0.000000e+00 : f32
    %broadcast_in_dim3A_852 = vector.broadcast %jit3A_850 : f32 to vector<8x8xf32>
    %broadcast_in_dim3A_853 = vector.broadcast %jit3A_851 : f32 to vector<8x8xf32>
    %select_n3A_854 = arith.select %and3A_849, %broadcast_in_dim3A_852, %broadcast_in_dim3A_853 : vector<8x8xi1>, vector<8x8xf32>
    %dot_general3A_855 = arith.constant dense<0.000000e+00> : vector<8x128xf32>
    %dot_general3A_856 = tpu.matmul %select_n3A_854, %add3A_811, %dot_general3A_855 {dimension_numbers = #tpu.dot_dimension_numbers<[1], [0], [0], [1], [0, 0, 1, 1], [], []>, transpose_lhs_hint = false} : vector<8x8xf32>, vector<8x128xf32>, vector<8x128xf32> -> vector<8x128xf32>
    %concatenate3A_857 = tpu.concatenate %dot_general3A_856, %dot_general3A_856, %dot_general3A_856, %dot_general3A_856 in 1 : vector<8x128xf32>, vector<8x128xf32>, vector<8x128xf32>, vector<8x128xf32> -> vector<8x512xf32>
    %iota3A_858 = tpu.iota {dimensions = array<i32: 1>} : vector<8x512xi32>
    %iota3A_859 = tpu.iota {dimensions = array<i32: 0>} : vector<8x512xi32>
    %jit3A_860 = arith.constant 128 : i32
    %div3A_861 = vector.broadcast %jit3A_860 : i32 to vector<8x512xi32>
    %div3A_862 = arith.divsi %iota3A_858, %div3A_861 : vector<8x512xi32>
    %sign3A_863 = arith.constant 0 : i32
    %sign3A_864 = vector.broadcast %sign3A_863 : i32 to vector<8x512xi32>
    %sign3A_865 = arith.cmpi sgt, %iota3A_858, %sign3A_864 : vector<8x512xi32>
    %sign3A_866 = arith.extui %sign3A_865 : vector<8x512xi1> to vector<8x512xi32>
    %sign3A_867 = arith.constant 0 : i32
    %sign3A_868 = vector.broadcast %sign3A_867 : i32 to vector<8x512xi32>
    %sign3A_869 = arith.cmpi slt, %iota3A_858, %sign3A_868 : vector<8x512xi32>
    %sign3A_870 = arith.extui %sign3A_869 : vector<8x512xi1> to vector<8x512xi32>
    %sign3A_871 = arith.subi %sign3A_866, %sign3A_870 : vector<8x512xi32>
    %sign3A_872 = arith.constant 0 : i32
    %sign3A_873 = arith.cmpi sgt, %jit3A_860, %sign3A_872 : i32
    %sign3A_874 = arith.extui %sign3A_873 : i1 to i32
    %sign3A_875 = arith.constant 0 : i32
    %sign3A_876 = arith.cmpi slt, %jit3A_860, %sign3A_875 : i32
    %sign3A_877 = arith.extui %sign3A_876 : i1 to i32
    %sign3A_878 = arith.subi %sign3A_874, %sign3A_877 : i32
    %ne3A_879 = vector.broadcast %sign3A_878 : i32 to vector<8x512xi32>
    %ne3A_880 = arith.cmpi ne, %sign3A_871, %ne3A_879 : vector<8x512xi32>
    %rem3A_881 = vector.broadcast %jit3A_860 : i32 to vector<8x512xi32>
    %rem3A_882 = arith.remsi %iota3A_858, %rem3A_881 : vector<8x512xi32>
    %ne3A_883 = arith.constant 0 : i32
    %ne3A_884 = vector.broadcast %ne3A_883 : i32 to vector<8x512xi32>
    %ne3A_885 = arith.cmpi ne, %rem3A_882, %ne3A_884 : vector<8x512xi32>
    %and3A_886 = arith.andi %ne3A_880, %ne3A_885 : vector<8x512xi1>
    %sub3A_887 = arith.constant 1 : i32
    %sub3A_888 = vector.broadcast %sub3A_887 : i32 to vector<8x512xi32>
    %sub3A_889 = arith.subi %div3A_862, %sub3A_888 : vector<8x512xi32>
    %select_n3A_890 = arith.select %and3A_886, %sub3A_889, %div3A_862 : vector<8x512xi1>, vector<8x512xi32>
    %eq3A_891 = arith.cmpi eq, %select_n3A_890, %iota3A_859 : vector<8x512xi32>
    %jit3A_892 = arith.constant 0.000000e+00 : f32
    %broadcast_in_dim3A_893 = vector.broadcast %jit3A_892 : f32 to vector<8x512xf32>
    %select_n3A_894 = arith.select %eq3A_891, %concatenate3A_857, %broadcast_in_dim3A_893 : vector<8x512xi1>, vector<8x512xf32>
    %get3A_895 = arith.constant 1024 : index
    %get3A_896 = arith.constant 0 : index
    %get3A_897 = vector.load %arg20[%get3A_895, %get3A_896] : memref<1536x128xf32, #tpu.memory_space<vmem>>, vector<512x128xf32>
    %dot_general3A_898 = arith.constant dense<0.000000e+00> : vector<8x128xf32>
    %dot_general3A_899 = tpu.matmul %select_n3A_894, %get3A_897, %dot_general3A_898 {dimension_numbers = #tpu.dot_dimension_numbers<[1], [0], [0], [1], [0, 0, 1, 1], [], []>, transpose_lhs_hint = false} : vector<8x512xf32>, vector<512x128xf32>, vector<8x128xf32> -> vector<8x128xf32>
    %get3A_900 = arith.constant 0 : index
    %get3A_901 = arith.constant 0 : index
    %get3A_902 = arith.constant 0 : index
    %get3A_903 = vector.load %arg5[%get3A_900, %get3A_901, %get3A_902] : memref<1x8x8xf32, #tpu.memory_space<vmem>>, vector<1x8x8xf32>
    %get3A_904 = vector.shape_cast %get3A_903 : vector<1x8x8xf32> to vector<8x8xf32>
    %slice3A_905 = vector.extract_strided_slice %get3A_904 {offsets = [0, 2], sizes = [8, 1], strides = [1, 1]} : vector<8x8xf32> to vector<8x1xf32>
    %get3A_906 = arith.constant 0 : index
    %get3A_907 = arith.constant 256 : index
    %get3A_908 = vector.load %arg21[%get3A_906, %get3A_907] : memref<1x384xf32, #tpu.memory_space<vmem>>, vector<1x128xf32>
    %add3A_909 = vector.broadcast %get3A_908 : vector<1x128xf32> to vector<8x128xf32>
    %add3A_910 = arith.addf %dot_general3A_899, %add3A_909 : vector<8x128xf32>
    %mul3A_911 = vector.broadcast %slice3A_905 : vector<8x1xf32> to vector<8x128xf32>
    %mul3A_912 = arith.mulf %add3A_910, %mul3A_911 : vector<8x128xf32>
    %add3A_913 = arith.addf %add3A_603, %mul3A_912 : vector<8x128xf32>
    %swap3A = arith.constant 0 : index
    %swap3A_914 = arith.constant 0 : index
    %swap3A_915 = arith.constant 0 : index
    %swap3A_916 = vector.load %arg22[%swap3A, %swap3A_914, %swap3A_915] : memref<1x8x128xf32, #tpu.memory_space<vmem>>, vector<1x8x128xf32>
    %swap3A_917 = vector.shape_cast %swap3A_916 : vector<1x8x128xf32> to vector<8x128xf32>
    %swap3A_918 = vector.shape_cast %add3A_913 : vector<8x128xf32> to vector<1x8x128xf32>
    tpu.vector_store %arg22[%swap3A, %swap3A_914, %swap3A_915], %swap3A_918 {strides = array<i32>} : memref<1x8x128xf32, #tpu.memory_space<vmem>>, vector<1x8x128xf32>,
    return
  }
  func.func @transform_0(%arg0: i32) -> (i32, i32, i32) {
    %c0_i32 = arith.constant 0 : i32
    %c0_i32_0 = arith.constant 0 : i32
    %c0_i32_1 = arith.constant 0 : i32
    return %arg0, %c0_i32, %c0_i32_0 : i32, i32, i32
  }
  func.func @transform_1(%arg0: i32) -> (i32, i32, i32) {
    %c0_i32 = arith.constant 0 : i32
    %c0_i32_0 = arith.constant 0 : i32
    %c0_i32_1 = arith.constant 0 : i32
    return %arg0, %c0_i32, %c0_i32_0 : i32, i32, i32
  }
  func.func @transform_2(%arg0: i32) -> (i32, i32, i32) {
    %c0_i32 = arith.constant 0 : i32
    %c0_i32_0 = arith.constant 0 : i32
    %c0_i32_1 = arith.constant 0 : i32
    return %arg0, %c0_i32, %c0_i32_0 : i32, i32, i32
  }
  func.func @transform_3(%arg0: i32) -> (i32, i32, i32) {
    %c0_i32 = arith.constant 0 : i32
    %c0_i32_0 = arith.constant 0 : i32
    %c0_i32_1 = arith.constant 0 : i32
    return %arg0, %c0_i32, %c0_i32_0 : i32, i32, i32
  }
  func.func @transform_4(%arg0: i32) -> (i32, i32, i32) {
    %c0_i32 = arith.constant 0 : i32
    %c0_i32_0 = arith.constant 0 : i32
    %c0_i32_1 = arith.constant 0 : i32
    return %arg0, %c0_i32, %c0_i32_0 : i32, i32, i32
  }
  func.func @transform_5(%arg0: i32) -> (i32, i32) {
    %c0_i32 = arith.constant 0 : i32
    %c0_i32_0 = arith.constant 0 : i32
    %c0_i32_1 = arith.constant 0 : i32
    return %c0_i32, %c0_i32_0 : i32, i32
  }
  func.func @transform_6(%arg0: i32) -> (i32, i32) {
    %c0_i32 = arith.constant 0 : i32
    %c0_i32_0 = arith.constant 0 : i32
    %c0_i32_1 = arith.constant 0 : i32
    return %c0_i32, %c0_i32_0 : i32, i32
  }
  func.func @transform_7(%arg0: i32) -> (i32, i32) {
    %c0_i32 = arith.constant 0 : i32
    %c0_i32_0 = arith.constant 0 : i32
    %c0_i32_1 = arith.constant 0 : i32
    return %c0_i32, %c0_i32_0 : i32, i32
  }
  func.func @transform_8(%arg0: i32) -> (i32, i32) {
    %c0_i32 = arith.constant 0 : i32
    %c0_i32_0 = arith.constant 0 : i32
    %c0_i32_1 = arith.constant 0 : i32
    return %c0_i32, %c0_i32_0 : i32, i32
  }
  func.func @transform_9(%arg0: i32) -> (i32, i32) {
    %c0_i32 = arith.constant 0 : i32
    %c0_i32_0 = arith.constant 0 : i32
    %c0_i32_1 = arith.constant 0 : i32
    return %c0_i32, %c0_i32_0 : i32, i32
  }
  func.func @transform_10(%arg0: i32) -> (i32, i32) {
    %c0_i32 = arith.constant 0 : i32
    %c0_i32_0 = arith.constant 0 : i32
    %c0_i32_1 = arith.constant 0 : i32
    return %c0_i32, %c0_i32_0 : i32, i32
  }
  func.func @transform_11(%arg0: i32) -> (i32, i32) {
    %c0_i32 = arith.constant 0 : i32
    %c0_i32_0 = arith.constant 0 : i32
    %c0_i32_1 = arith.constant 0 : i32
    return %c0_i32, %c0_i32_0 : i32, i32
  }
  func.func @transform_12(%arg0: i32) -> (i32, i32) {
    %c0_i32 = arith.constant 0 : i32
    %c0_i32_0 = arith.constant 0 : i32
    %c0_i32_1 = arith.constant 0 : i32
    return %c0_i32, %c0_i32_0 : i32, i32
  }
  func.func @transform_13(%arg0: i32) -> (i32, i32) {
    %c0_i32 = arith.constant 0 : i32
    %c0_i32_0 = arith.constant 0 : i32
    %c0_i32_1 = arith.constant 0 : i32
    return %c0_i32, %c0_i32_0 : i32, i32
  }
  func.func @transform_14(%arg0: i32) -> (i32, i32) {
    %c0_i32 = arith.constant 0 : i32
    %c0_i32_0 = arith.constant 0 : i32
    %c0_i32_1 = arith.constant 0 : i32
    return %c0_i32, %c0_i32_0 : i32, i32
  }
  func.func @transform_15(%arg0: i32) -> (i32, i32) {
    %c0_i32 = arith.constant 0 : i32
    %c0_i32_0 = arith.constant 0 : i32
    %c0_i32_1 = arith.constant 0 : i32
    return %c0_i32, %c0_i32_0 : i32, i32
  }
  func.func @transform_16(%arg0: i32) -> (i32, i32) {
    %c0_i32 = arith.constant 0 : i32
    %c0_i32_0 = arith.constant 0 : i32
    %c0_i32_1 = arith.constant 0 : i32
    return %c0_i32, %c0_i32_0 : i32, i32
  }
  func.func @transform_17(%arg0: i32) -> (i32, i32) {
    %c0_i32 = arith.constant 0 : i32
    %c0_i32_0 = arith.constant 0 : i32
    %c0_i32_1 = arith.constant 0 : i32
    return %c0_i32, %c0_i32_0 : i32, i32
  }
  func.func @transform_18(%arg0: i32) -> (i32, i32) {
    %c0_i32 = arith.constant 0 : i32
    %c0_i32_0 = arith.constant 0 : i32
    %c0_i32_1 = arith.constant 0 : i32
    return %c0_i32, %c0_i32_0 : i32, i32
  }
  func.func @transform_19(%arg0: i32) -> (i32, i32) {
    %c0_i32 = arith.constant 0 : i32
    %c0_i32_0 = arith.constant 0 : i32
    %c0_i32_1 = arith.constant 0 : i32
    return %c0_i32, %c0_i32_0 : i32, i32
  }
  func.func @transform_20(%arg0: i32) -> (i32, i32) {
    %c0_i32 = arith.constant 0 : i32
    %c0_i32_0 = arith.constant 0 : i32
    %c0_i32_1 = arith.constant 0 : i32
    return %c0_i32, %c0_i32_0 : i32, i32
  }
  func.func @transform_21(%arg0: i32) -> (i32, i32, i32) {
    %c0_i32 = arith.constant 0 : i32
    %c0_i32_0 = arith.constant 0 : i32
    %c0_i32_1 = arith.constant 0 : i32
    return %arg0, %c0_i32, %c0_i32_0 : i32, i32, i32
  }
}

</mosaic_0001>

<sc_bundles>
// kernel: sparse-core-data-format-call.cloned.1.call-start
scs
called_computation_lowered:
.L_overlay_start_0:
0x0: {  	s2 =	sld [smem:$0x3FD9]  }
0x1: {  	s3 =	sld [smem:$0x3FFE];
	_ =	sdelay $0x1  }
0x2: {  	s1 =	srdreg.scid  }
0x3: {  	s0 =	sand.u32 $0x1, s1  }
0x4: {  	s18 =	sshll.u32 s0, $0xA;
	s2 =	sadd.s32 s3, s2  }
0x5: {  	s2 =	sadd.s32 s2, s18  }
0x6: {  	[smem:$0x3F8F] =	sst s2  }
0x7: {  	_ = 	snop  }
0x8: {  	s2 =	sld [smem:$0x3FC9];
	(tm) =	ssettm $0x1  }
0x9: {  	s19 =	sld [smem:$0x3FFB];
	_ =	sdelay $0x3  }
0xa: {  	_ =	strace s19  }
0xb: {  	s3 =	sld [smem:$0x3FFC];
	_ =	sdelay $0x3  }
0xc: {  	_ =	strace s3  }
0xd: {  	s3 =	sld [smem:$0x3FFD];
	_ =	sdelay $0x3  }
0xe: {  	_ =	strace s3  }
0xf: {  	_ =	strace $0x8FFFFFFF  }
0x10: {  	s20 =	sld [smem:$0x3FDB];
	_ =	sdelay $0x1  }
0x11: {  	s4 =	simm.s32 $_scs_section_size  }
0x12: {  	s5 =	simm.s32 $_size__tile_overlayer_lowered;
	s6 =	simm.s32 $_tile_overlayer_lowered  }
0x13: {  	s23 =	simm.s32 $0x1BFF;
	s22 =	sshll.u32 s6, $0x1;
	s3 =	sadd.s32 s4, s20  }
0x14: {  	s7 =	simm.s32 $0x0;
	s21 =	sshll.u32 s5, $0x1;
	s5 =	sadd.s32 s22, s3  }
0x15: {  	[timem:s7], [sflag:s23] =	dma.local [hbm:s5], s21  }
0x16: {  	_ =	swait.ge [sflag:s23], s21  }
0x17: {  	s4 =	ssub.s32 $0x0, s21;
	[sflag:s23] =	ssyncset.done $0x0  }
0x18: {  	[sflag:s23] =	ssyncadd.s32 s4;
	_ =	sdelay $0x1  }
0x19: {  	s24 =	simm.s32 $0x1B8B  }
0x1a: {  	_ =	swait.ge [sflag:s24], $0x1  }
0x1b: {  	[sflag:s24] =	ssyncset.done $0x0  }
0x1c: {  	s26 =	simm.s32 $0x1B8E;
	s25 =	sld [smem:$0x3FFE];
	[sflag:s24] =	ssyncadd.s32 $0xFFFFFFFF  }
0x1d: {  	s27 =	simm.s32 $execute0_lowered;
	[smem:$0x3FD2] =	sst s26  }
0x1e: {  	s5 =	sshll.u32 s27, $0x1;
	_ =	strace $0x80000046;
	[dreg:$0x1] =	wrdreg $0xFFFFFFFF  }
0x1f: {  	s28 =	simm.s32 $_size_execute0_lowered;
	s3 =	sadd.s32 s3, s5;
	[dreg:$0x0] =	wrdreg $0x0  }
0x20: {  	s5 =	sshll.u32 s28, $0x1;
	[dreg:$0x2] =	wrdreg s3  }
0x21: {  	[dreg:$0x3] =	wrdreg s5  }
0x22: {  	[dreg:$0x4] =	wrdreg $0xC0  }
0x23: {  	_ =	task [dreg:s7], $0x5FFFF  }
0x24: {  	[dreg:$0x1] =	wrdreg $0xFFFFFFFF  }
0x25: {  	[dreg:$0x0] =	wrdreg $0x60  }
0x26: {  	[dreg:$0x2] =	wrdreg s2  }
0x27: {  	[dreg:$0x3] =	wrdreg s25  }
0x28: {  	[dreg:$0x4] =	wrdreg $0x9  }
0x29: {  	_ =	task.clear_ibuf [dreg:s7], $0x5FFFF;
	_ =	strace $0x90000046  }
0x2a: {  	s29 =	simm.s32 $0x9;
	_ =	strace $0x80000048  }
0x2b: {  	_ =	swait.ge [sflag:s29], $0x1  }
0x2c: {  	[sflag:s29] =	ssyncadd.s32 $0xFFFFFFFF  }
0x2d: {  	_ =	strace $0x90000048  }
0x2e: {  	_ =	sfence  }
0x2f: {  	s30 =	sld [smem:$0x0];
	_ =	sdelay $0x2  }
0x30: {  	s31 =	sshll.u32 s1, $0xD;
	s1 =	sshrl.u32 s1, $0x2  }
0x31: {  	s3 =	sand.u32 $0x4000, s31;
	s1 =	sadd.s32 s1, s30  }
0x32: {  	s0 =	sor.u32 s3, s0;
	s1 =	sshll.u32 s1, $0x11  }
0x33: {  	s0 =	sor.u32 s1, s0  }
0x34: {  	s0 =	sadd.s32 $0x8F2B, s0  }
0x35: {  	[sflag:s0] =	ssyncadd.remote.s32 $0x1  }
0x36: {  	_ =	sfence.sel $0xFFFF  }
0x37: {  	[dreg:$0x0] =	wrdreg $0xFFFFFFFF;
	(pc) =	sbr.abs _section_cstart, $3  }
0x38: {  	[dreg:$0x1] =	wrdreg $0xFFFFFFFF  }
0x39: {  	_ =	task.clear_ibuf [dreg:s7], $0x2FFFF;
	_ =	strace $0x9FFFFFFF  }
0x3a: {  	(tm) =	ssettm $0x7FFFFFFF  }
0x3b: {  	_ =	shalt  }
tec
execute0_lowered:
.L_overlay_start_1:
0x0: {  	(tag) =	ssettag $0x1  }
0x1: {  	s0 =	stileid.u32  }
0x2: {  	s1 =	srdreg.scid;
	s2 =	rddreg [dreg:$0x0]  }
0x3: {  	s4 =	rddreg [dreg:$0x1];
	s7 =	simm.s32 $0x1;
	s8 =	simm.s32 $0x2  }
0x4: {  	s15 =	simm.s32 $0x0;
	s3 =	sshll.u32 s0, $0x1;
	s1 =	sshll.u32 s1, $0x5  }
0x5: {  	s9 =	simm.s32 $0x400;
	s10 =	simm.s32 $0x20000;
	s1 =	sor.u32 s3, s1  }
0x6: {  	s11 =	simm.s32 $0x0;
	s16 =	simm.s32 $0x0;
	s3 =	sand.u32 $0x38, s1  }
0x7: {  	s14 =	simm.s32 $0x0;
	s4 =	sadd.s32 $0x8600, s4;
	s6 =	ssub.s32 $0x400, s3  }
.Ltmp0:
0x8: {  	s1 =	rddreg [dreg:$0x2];
	s5 =	sand.u32 $0x38, s6;
	(pc) =	sbr.rel .LBB1_1-.Ltmp0, $4  }
0x9: {  	_ =	strace $0x80000047;
	s12 =	smov.u32 s3;
	p0 =	sne.s32 s5, $0x0  }
0xa: {  	s6 =	sshrl.u32 s6, $0x6;
	s5 =	simm.s32 $0x1;
	s7 =	simm.s32 @!p0 $0x0  }
0xb: {  	[sflag:s5] =	ssyncpa.u1 $0x0;
	s6 =	sadd.s32 s7, s6;
	s7 =	sand.u32 $0x3, s0  }
0xc: {  	[sflag:s8] =	ssyncpa.u1 $0x0;
	s8 =	sadd.s32 $0x1, s6;
	s13 =	smov.u32 s7  }
.LBB1_7:
0xd: {  	s17 =	sadd.s32 $0x40, s12  }
0xe: {  	s15 =	sadd.s32 $0x4, s13;
	s19 =	smov.u32 s13;
	p1 =	sgt.s32 s17, $0x3FF  }
0xf: {  	s19 =	smov.u32 @p1 s15  }
0x10: {  	s17 =	smov.u32 @p1 s3;
	p1 =	sgt.s32 s19, $0x3  }
0x11: {  	s19 =	smov.u32 @p1 s7;
	p1 =	sne.s32 s14, s8  }
.Ltmp1:
0x12: {  	p0 =	slt.u32 s14, $0x2;
	(pc) =	sbr.rel @!p1 .LBB1_8-.Ltmp1, $4  }
0x13: {  	s18 =	simm.s32 @!p0 $0x2  }
0x14: {  	s16 =	smov.u32 s13;
	s11 =	sadd.s32 $0x4000, s11;
	_ =	swait.ge @!p0 [sflag:s18], $0x4000  }
0x15: {  	s15 =	smov.u32 s12;
	[sflag:s18] =	ssyncset.done @!p0 $0x0;
	s12 =	smov.u32 s17  }
0x16: {  	s14 =	sadd.s32 $0x1, s14;
	[sflag:s18] =	ssyncadd.s32 @!p0 $0xFFFFC000;
	s13 =	smov.u32 s19  }
.LBB1_1:
0x17: {  	p0 =	sge.u32 s14, s6  }
0x18: {  	s31 =	sadd.s32 $0xFFFFFFFF, s14;
	s17 =	sxor.u32 @!p0 $0xFFFFFFFF, s14;
	s18 =	sshll.u32 @!p0 s13, $0x12  }
0x19: {  	s19 =	sshll.u32 @!p0 s12, $0x8;
	s17 =	sshll.u32 @!p0 s17, $0xE;
	s18 =	sadd.s32 @!p0 s2, s18  }
0x1a: {  	s17 =	sand.u32 @!p0 $0x4000, s17;
	s18 =	sadd.s32 @!p0 s19, s18;
	s19 =	simm.s32 @!p0 $0x0  }
0x1b: {  	[tilespmem:s17], [sflag:$0x1] =	stream.linear.gather @!p0 [hbm4b:s18+s19], $0x4000, $0x38;
	[tilespmem:$0x10000] =	vst v63  }
0x1c: {  	p0 =	sge.u32 s31, s6  }
.Ltmp2:
0x1d: {  	_ = 	snop;
	(pc) =	sbr.rel @p0 .LBB1_7-.Ltmp2, $1  }
0x1e: {  	_ =	sdelay $0x3  }
0x1f: {  	s18 =	sand.u32 $0x4000, s11  }
0x20: {  	_ =	swait.ge [sflag:s5], $0x4000;
	s20 =	sshll.u32 s14, $0xE;
	s17 =	sor.u32 $0x8040, s18  }
0x21: {  	s19 =	sor.u32 $0x40, s18;
	[sflag:s5] =	ssyncset.done $0x0;
	s31 =	sand.u32 $0x4000, s20  }
0x22: {  	s20 =	simm.s32 $0x0;
	[sflag:s5] =	ssyncadd.s32 $0xFFFFC000;
	s18 =	sor.u32 $0x8000, s31  }
.LBB1_3:
0x23: {  	v0 =	vmov s19;
	_ =	sdelay $0x3  }
0x24: {  	s22 =	simm.s32 $0x0  }
0x25: {  	v6 =	vld.idx.msk [tilespmem:v0+s22+$0x30 ss:$0x1], $0xffff  }
0x26: {  	v7 =	vld.idx.msk [tilespmem:v0+s22+$0xFFFFFFC0 ss:$0x1], $0xffff  }
0x27: {  	v5 =	vld.idx.msk [tilespmem:v0+s22+$0xFFFFFFD0 ss:$0x1], $0xffff  }
0x28: {  	v4 =	vld.idx.msk [tilespmem:v0+s22+$0xFFFFFFE0 ss:$0x1], $0xffff  }
0x29: {  	v3 =	vld.idx.msk [tilespmem:v0+s22+$0xFFFFFFF0 ss:$0x1], $0xffff  }
0x2a: {  	v1 =	vld.idx.msk [tilespmem:v0+s22+$0x0 ss:$0x1], $0xffff  }
0x2b: {  	v2 =	vld.idx.msk [tilespmem:v0+s22+$0x10 ss:$0x1], $0xffff;
	[tilespmem:s17+$0x30] =	vst v6  }
0x2c: {  	s21 =	simm.s32 $0x80;
	s23 =	simm.s32 $0x400;
	[tilespmem:s17+$0xFFFFFFC0] =	vst v7;
	v6 =	vld.idx.msk [tilespmem:v0+s22+$0x20 ss:$0x1], $0xffff;
	s22 =	smov.u32 s17  }
.LBB1_4:
0x2d: {  	p0 =	sne.s32 s23, $0x1E00;
	v7 =	vld.idx.msk [tilespmem:v0+s21+$0x30 ss:$0x1], $0xffff;
	[tilespmem:s22+$0xFFFFFFD0] =	vst v5  }
0x2e: {  	v8 =	vld.idx.msk [tilespmem:v0+s21+$0xFFFFFFC0 ss:$0x1], $0xffff;
	[tilespmem:s22+$0xFFFFFFE0] =	vst v4  }
0x2f: {  	v5 =	vld.idx.msk [tilespmem:v0+s21+$0xFFFFFFD0 ss:$0x1], $0xffff;
	[tilespmem:s22+$0xFFFFFFF0] =	vst v3  }
.Ltmp3:
0x30: {  	v4 =	vld.idx.msk [tilespmem:v0+s21+$0xFFFFFFE0 ss:$0x1], $0xffff;
	[tilespmem:s22+$0x0] =	vst v1;
	(pc) =	sbr.rel @p0 .LBB1_4-.Ltmp3, $4  }
0x31: {  	v3 =	vld.idx.msk [tilespmem:v0+s21+$0xFFFFFFF0 ss:$0x1], $0xffff;
	[tilespmem:s22+$0x10] =	vst v2  }
0x32: {  	v1 =	vld.idx.msk [tilespmem:v0+s21+$0x0 ss:$0x1], $0xffff;
	[tilespmem:s22+$0x20] =	vst v6;
	s22 =	sadd.s32 $0x400, s22  }
0x33: {  	v2 =	vld.idx.msk [tilespmem:v0+s21+$0x10 ss:$0x1], $0xffff;
	[tilespmem:s22+$0x30] =	vst v7  }
0x34: {  	[tilespmem:s22+$0xFFFFFFC0] =	vst v8;
	v6 =	vld.idx.msk [tilespmem:v0+s21+$0x20 ss:$0x1], $0xffff;
	s21 =	sshra.s32 s23, $0x2;
	s23 =	sadd.s32 $0x200, s23  }
0x35: {  	_ =	sdelay $0x2  }
0x36: {  	[tilespmem:s22+$0xFFFFFFD0] =	vst v5  }
0x37: {  	v56 =	vld.idx.msk [tilespmem:v0+s21+$0x30 ss:$0x1], $0xffff;
	[tilespmem:s22+$0xFFFFFFE0] =	vst v4  }
0x38: {  	v57 =	vld.idx.msk [tilespmem:v0+s21+$0xFFFFFFC0 ss:$0x1], $0xffff;
	[tilespmem:s22+$0xFFFFFFF0] =	vst v3  }
0x39: {  	v58 =	vld.idx.msk [tilespmem:v0+s21+$0xFFFFFFD0 ss:$0x1], $0xffff;
	[tilespmem:s22+$0x0] =	vst v1  }
0x3a: {  	v59 =	vld.idx.msk [tilespmem:v0+s21+$0xFFFFFFE0 ss:$0x1], $0xffff;
	[tilespmem:s22+$0x10] =	vst v2  }
0x3b: {  	v60 =	vld.idx.msk [tilespmem:v0+s21+$0xFFFFFFF0 ss:$0x1], $0xffff;
	s31 =	sadd.s32 $0x400, s22;
	[tilespmem:s22+$0x20] =	vst v6  }
0x3c: {  	v61 =	vld.idx.msk [tilespmem:v0+s21+$0x0 ss:$0x1], $0xffff;
	[tilespmem:s31+$0x30] =	vst v56  }
0x3d: {  	v62 =	vld.idx.msk [tilespmem:v0+s21+$0x10 ss:$0x1], $0xffff;
	s20 =	sadd.s32 $0x1, s20;
	[tilespmem:s31+$0xFFFFFFC0] =	vst v57  }
0x3e: {  	v63 =	vld.idx.msk [tilespmem:v0+s21+$0x20 ss:$0x1], $0xffff;
	p0 =	sne.s32 s20, $0x8;
	[tilespmem:s31+$0xFFFFFFD0] =	vst v58  }
.Ltmp4:
0x3f: {  	[tilespmem:s31+$0xFFFFFFE0] =	vst v59;
	(pc) =	sbr.rel @p0 .LBB1_3-.Ltmp4, $4  }
0x40: {  	[tilespmem:s31+$0xFFFFFFF0] =	vst v60  }
0x41: {  	[tilespmem:s31+$0x0] =	vst v61  }
0x42: {  	[tilespmem:s31+$0x10] =	vst v62  }
0x43: {  	s17 =	sadd.s32 $0x80, s17;
	s19 =	sadd.s32 $0x800, s19;
	[tilespmem:s31+$0x20] =	vst v63  }
.Ltmp5:
0x44: {  	(pc) =	sbr.rel .LBB1_7-.Ltmp5, $4  }
0x45: {  	s16 =	sshll.u32 s16, $0x12;
	s15 =	sshll.u32 s15, $0x4  }
0x46: {  	s15 =	sand.u32 $0x3FF0, s15;
	s16 =	sadd.s32 s4, s16  }
0x47: {  	s15 =	sadd.s32 s15, s16  }
0x48: {  	[hbm4b:s15+s9] =	stream.strided.scatter [tilespmem:s18], [sflag:$0x2], $0x4000, s10, s9, $0x38;
	[tilespmem:$0x10000] =	vst v63  }
.LBB1_8:
0x49: {  	_ =	sfence.sel $0x180000  }
0x4a: {  	s2 =	simm.s32 $0x1;
	[bflag:$0x0] =	sbarrier.arrive $0xFFFF  }
0x4b: {  	s31 =	simm.s32 $0x2;
	[sflag:s2] =	ssyncpa.u1 $0x1  }
0x4c: {  	[sflag:s31] =	ssyncpa.u1 $0x1  }
0x4d: {  	p0 =	sne.s32 s0, $0x0;
	_ =	strace $0x90000047  }
0x4e: {  	s0 =	sadd.s32 @!p0 $0x100000, s1;
	[bflag:$0x2] =	sbarrier.arrive $0xFFFF  }
0x4f: {  	[sflag:s0] =	ssyncadd.tile.s32 @!p0 $0x1;
	_ =	shalt  }
.Lfunc_end1:
_tile_overlayer_lowered:
.L_overlay_start_2:
0x50: {  	(tag) =	ssettag $0x2  }
0x51: {  	s0 =	rddreg [dreg:$0x0];
	s2 =	stileid.u32  }
0x52: {  	s1 =	rddreg [dreg:$0x1];
	p0 =	sne.s32 s2, $0x0  }
0x53: {  	s3 =	rddreg [dreg:$0x2];
	[bflag:$0x3] =	sbarrier.arrive $0xFFFF;
	s2 =	simm.s32 @!p0 $0x1C01  }
0x54: {  	[timem:s3], [sflag:s2] =	dma.local @!p0 [hbm:s0], s1  }
0x55: {  	s0 =	simm.s32 @!p0 $0x1  }
0x56: {  	_ =	swait.ge @!p0 [sflag:s0], s1  }
0x57: {  	s1 =	ssub.s32 @!p0 $0x0, s1;
	[sflag:s0] =	ssyncset.done @!p0 $0x0  }
0x58: {  	[sflag:s0] =	ssyncadd.s32 @!p0 s1  }
0x59: {  	[bflag:$0x3] =	sbarrier.arrive $0xFFFF  }
0x5a: {  	_ =	shalt  }

</sc_bundles>
